<compile_context>
chip_gen: v7x
topology: tpu7x:2x2x1
jax: 0.10.2.dev20260603
libtpu: 0.0.44.dev20260713+nightly
codegen_flags: <defaults>
</compile_context>

<pallas_src>
import functools

import jax
import jax.numpy as jnp
from jax import lax
from jax.experimental import pallas as pl
from jax.experimental.pallas import tpu as pltpu
from jax.experimental.pallas import tpu_sc as plsc

N = 10000
E = 320000
D = 128
ED = 16
H = 8
C = 128
HC = H * C
FF = 128

NP = 10240
R = 32
B = NP // R
CE = 128
NCHUNK = E // CE + B
EP = NCHUNK * CE
NW = 32
RPW = EP // NW
K = 16
NCK = RPW // K



def _proj_body(x_ref, wl_ref, wr_ref, xl_ref, xr_ref):
    x = x_ref[...]
    xl_ref[...] = jnp.dot(x, wl_ref[...], preferred_element_type=jnp.float32)
    xr_ref[...] = jnp.dot(x, wr_ref[...], preferred_element_type=jnp.float32)


def _project_nodes(x_p, Wl, Wr):
    return pl.pallas_call(
        _proj_body,
        grid=(NP // 256,),
        in_specs=[
            pl.BlockSpec((256, D), lambda i: (i, 0)),
            pl.BlockSpec((D, HC), lambda i: (0, 0)),
            pl.BlockSpec((D, HC), lambda i: (0, 0)),
        ],
        out_specs=[
            pl.BlockSpec((256, HC), lambda i: (i, 0)),
            pl.BlockSpec((256, HC), lambda i: (i, 0)),
        ],
        out_shape=[
            jax.ShapeDtypeStruct((NP, HC), jnp.float32),
            jax.ShapeDtypeStruct((NP, HC), jnp.float32),
        ],
    )(x_p, Wl, Wr)


def _edge_body(cb_ref, cf_ref, xls_ref, ea_ref, we_ref, xr_ref, dr_ref,
               vd_ref, att_ref, out_ref, den_ref):
    k = pl.program_id(0)
    xls = xls_ref[...]
    rows = lax.broadcasted_iota(jnp.int32, (CE, R), 1)
    Sf = jnp.where(dr_ref[...] == rows, 1.0, 0.0)
    xr_rows = jnp.dot(Sf, xr_ref[...], preferred_element_type=jnp.float32)
    eaw = jnp.dot(ea_ref[...], we_ref[...], preferred_element_type=jnp.float32)
    u = xls + xr_rows + eaw
    u = jnp.maximum(u, 0.2 * u)
    ua = u * att_ref[...]
    ci = lax.broadcasted_iota(jnp.int32, (HC, 16), 0)
    hi = lax.broadcasted_iota(jnp.int32, (HC, 16), 1)
    sel = jnp.where(ci // C == hi, 1.0, 0.0)
    logits = jnp.dot(ua, sel, preferred_element_type=jnp.float32)
    w = jnp.exp(logits) * vd_ref[...]
    hr = lax.broadcasted_iota(jnp.int32, (16, HC), 0)
    hc = lax.broadcasted_iota(jnp.int32, (16, HC), 1)
    exp_m = jnp.where(hc // C == hr, 1.0, 0.0)
    wexp = jnp.dot(w, exp_m, preferred_element_type=jnp.float32)
    dn = ((0,), (0,)), ((), ())
    dpart = lax.dot_general(Sf, w, dn, preferred_element_type=jnp.float32)
    opart = lax.dot_general(Sf, wexp * xls, dn,
                            preferred_element_type=jnp.float32)

    @pl.when(cf_ref[k] == 1)
    def _():
        out_ref[...] = jnp.zeros_like(out_ref)
        den_ref[...] = jnp.zeros_like(den_ref)

    out_ref[...] += opart
    den_ref[...] += dpart


def _edge_pass(cb, cf, XLs, ea_p, We, XR, dst_rel, valid, att):
    grid_spec = pltpu.PrefetchScalarGridSpec(
        num_scalar_prefetch=2,
        grid=(NCHUNK,),
        in_specs=[
            pl.BlockSpec((CE, HC), lambda k, cb, cf: (k, 0)),
            pl.BlockSpec((CE, ED), lambda k, cb, cf: (k, 0)),
            pl.BlockSpec((ED, HC), lambda k, cb, cf: (0, 0)),
            pl.BlockSpec((R, HC), lambda k, cb, cf: (cb[k], 0)),
            pl.BlockSpec((CE, 1), lambda k, cb, cf: (k, 0)),
            pl.BlockSpec((CE, 1), lambda k, cb, cf: (k, 0)),
            pl.BlockSpec((1, HC), lambda k, cb, cf: (0, 0)),
        ],
        out_specs=[
            pl.BlockSpec((R, HC), lambda k, cb, cf: (cb[k], 0)),
            pl.BlockSpec((R, 16), lambda k, cb, cf: (cb[k], 0)),
        ],
    )
    return pl.pallas_call(
        _edge_body,
        grid_spec=grid_spec,
        out_shape=[
            jax.ShapeDtypeStruct((NP, HC), jnp.float32),
            jax.ShapeDtypeStruct((NP, 16), jnp.float32),
        ],
    )(cb, cf, XLs, ea_p, We, XR, dst_rel, valid, att)


def _finish_h(acc, den, b):
    recip = 1.0 / (den[:, :H] + 1e-16)
    rowi = lax.broadcasted_iota(jnp.int32, (H, HC), 0)
    coli = lax.broadcasted_iota(jnp.int32, (H, HC), 1)
    sel = jnp.where(coli // C == rowi, 1.0, 0.0)
    den_wide = jnp.dot(recip, sel, preferred_element_type=jnp.float32)
    return jnp.maximum(acc * den_wide + b, 0.0)


def _epi_body(acc_ref, den_ref, b_ref, wl_ref, wr_ref, xl_ref, xr_ref):
    h = _finish_h(acc_ref[...], den_ref[...], b_ref[...])
    xl_ref[...] = jnp.dot(h, wl_ref[...], preferred_element_type=jnp.float32)
    xr_ref[...] = jnp.dot(h, wr_ref[...], preferred_element_type=jnp.float32)


def _epilogue_project(acc, den, b, Wl, Wr):
    return pl.pallas_call(
        _epi_body,
        grid=(NP // 256,),
        in_specs=[
            pl.BlockSpec((256, HC), lambda i: (i, 0)),
            pl.BlockSpec((256, 16), lambda i: (i, 0)),
            pl.BlockSpec((1, HC), lambda i: (0, 0)),
            pl.BlockSpec((HC, HC), lambda i: (0, 0)),
            pl.BlockSpec((HC, HC), lambda i: (0, 0)),
        ],
        out_specs=[
            pl.BlockSpec((256, HC), lambda i: (i, 0)),
            pl.BlockSpec((256, HC), lambda i: (i, 0)),
        ],
        out_shape=[
            jax.ShapeDtypeStruct((NP, HC), jnp.float32),
            jax.ShapeDtypeStruct((NP, HC), jnp.float32),
        ],
    )(acc, den, b, Wl, Wr)


def _pool_body(acc_ref, den_ref, b_ref, out_ref):
    i = pl.program_id(0)
    h = _finish_h(acc_ref[...], den_ref[...], b_ref[...])
    rows = i * 256 + lax.broadcasted_iota(jnp.int32, (256, HC), 0)
    h = jnp.where(rows < N, h, 0.0)
    part = jnp.sum(h, axis=0, keepdims=True)

    @pl.when(i == 0)
    def _():
        out_ref[...] = jnp.zeros_like(out_ref)

    out_ref[...] += part


def _pool_partials(acc, den, b):
    return pl.pallas_call(
        _pool_body,
        grid=(NP // 256,),
        in_specs=[
            pl.BlockSpec((256, HC), lambda i: (i, 0)),
            pl.BlockSpec((256, 16), lambda i: (i, 0)),
            pl.BlockSpec((1, HC), lambda i: (0, 0)),
        ],
        out_specs=pl.BlockSpec((1, HC), lambda i: (0, 0)),
        out_shape=jax.ShapeDtypeStruct((1, HC), jnp.float32),
    )(acc, den, b)


def _head_body(p_ref, wf1_ref, bf1_ref, wf2_ref, bf2_ref, o_ref):
    pooled = p_ref[...] / float(N)
    z = jnp.dot(pooled, wf1_ref[...], preferred_element_type=jnp.float32)
    z = jnp.maximum(z + bf1_ref[...], 0.0)
    o_ref[...] = jnp.dot(z, wf2_ref[...], preferred_element_type=jnp.float32) + bf2_ref[...]


def _ffn_head(partials, Wf1, bf1, Wf2, bf2):
    return pl.pallas_call(
        _head_body,
        in_specs=[
            pl.BlockSpec(partials.shape, lambda: (0, 0)),
            pl.BlockSpec(Wf1.shape, lambda: (0, 0)),
            pl.BlockSpec((1, FF), lambda: (0, 0)),
            pl.BlockSpec(Wf2.shape, lambda: (0, 0)),
            pl.BlockSpec((1, 1), lambda: (0, 0)),
        ],
        out_specs=pl.BlockSpec((1, 1), lambda: (0, 0)),
        out_shape=jax.ShapeDtypeStruct((1, 1), jnp.float32),
    )(partials, Wf1, bf1.reshape(1, FF), Wf2, bf2.reshape(1, 1))



def _sc_gather_body(xl_hbm, src_hbm, out_hbm, idx_all, buf, sem):
    cid = lax.axis_index("c")
    sid = lax.axis_index("s")
    wid = sid * 2 + cid
    base = pl.multiple_of(wid * RPW, 16)
    pltpu.sync_copy(src_hbm.at[pl.ds(base, RPW)], idx_all)

    def _chunk(k, carry):
        sv = idx_all[pl.ds(k * K, K)]
        cp = pltpu.async_copy(xl_hbm.at[sv], buf, sem)
        cp.wait()
        e0 = pl.multiple_of(base + k * K, 16)
        pltpu.sync_copy(buf, out_hbm.at[pl.ds(e0, K)])
        return carry

    lax.fori_loop(0, NCK, _chunk, 0)


def _sc_gather(table, src_p):
    fn = pl.kernel(
        _sc_gather_body,
        out_type=jax.ShapeDtypeStruct((EP, HC), jnp.float32),
        mesh=plsc.VectorSubcoreMesh(core_axis_name="c", subcore_axis_name="s"),
        scratch_types=[
            pltpu.VMEM((RPW,), jnp.int32),
            pltpu.VMEM((K, HC), jnp.float32),
            pltpu.SemaphoreType.DMA,
        ],
    )
    return fn(table, src_p)



def _prep(src, dst, edge_attr):
    iota_e = jnp.arange(E, dtype=jnp.int32)
    dst_s, src_s, order = lax.sort((dst, src, iota_e), num_keys=1)
    ea_s = edge_attr[order]

    bnd = jnp.arange(B, dtype=jnp.int32) * R
    starts = jnp.searchsorted(dst_s, bnd).astype(jnp.int32)
    ends = jnp.searchsorted(dst_s, bnd + R).astype(jnp.int32)
    cnt = ends - starts
    chunks_b = jnp.maximum((cnt + CE - 1) // CE, 1)
    chunk_start = jnp.concatenate(
        [jnp.zeros((1,), jnp.int32), jnp.cumsum(chunks_b).astype(jnp.int32)])
    bs = dst_s // R
    slot = chunk_start[bs] * CE + (iota_e - starts[bs])
    src_p = jnp.zeros((EP,), jnp.int32).at[slot].set(src_s)
    dst_rel = jnp.zeros((EP, 1), jnp.int32).at[slot, 0].set(dst_s - bs * R)
    valid = jnp.zeros((EP, 1), jnp.float32).at[slot, 0].set(1.0)
    ea_p = jnp.zeros((EP, ED), jnp.float32).at[slot].set(ea_s)
    ck = jnp.arange(NCHUNK, dtype=jnp.int32)
    cb = jnp.clip(
        jnp.searchsorted(chunk_start, ck, side="right").astype(jnp.int32) - 1,
        0, B - 1)
    cf = (ck == chunk_start[cb]).astype(jnp.int32)
    return src_p, dst_rel, valid, ea_p, cb, cf


def kernel(x, edge_index, edge_attr, batch, Wl1, Wr1, We1, att1, b1,
           Wl2, Wr2, We2, att2, b2, Wf1, bf1, Wf2, bf2):
    src_p, dst_rel, valid, ea_p, cb, cf = _prep(
        edge_index[0], edge_index[1], edge_attr)

    x_p = jnp.pad(x, ((0, NP - N), (0, 0)))

    XL1, XR1 = _project_nodes(x_p, Wl1, Wr1)
    att1f = att1.reshape(1, HC)
    att2f = att2.reshape(1, HC)

    XLs1 = _sc_gather(XL1, src_p)
    out1, den1 = _edge_pass(cb, cf, XLs1, ea_p, We1, XR1, dst_rel, valid,
                            att1f)
    XL2, XR2 = _epilogue_project(out1, den1, b1.reshape(1, HC), Wl2, Wr2)
    XLs2 = _sc_gather(XL2, src_p)
    out2, den2 = _edge_pass(cb, cf, XLs2, ea_p, We2, XR2, dst_rel, valid,
                            att2f)
    partials = _pool_partials(out2, den2, b2.reshape(1, HC))
    return _ffn_head(partials, Wf1, bf1, Wf2, bf2)

# --- scband reference (transcript-rebuilt; emitter-appended) ---
"""Pipeline reference for scband-gat-4320737099997 (READ-ONLY COPY).

The authoritative reference and input builder live on the scoring server;
editing this copy changes nothing except your own understanding.
"""

import jax, jax.numpy as jnp
import numpy as np

N = 10000
E = 320000
D = 128
ED = 16
H = 8
C = 128
FF = 128
OUT = 1


def setup_inputs(seed: int = 0) -> dict:
    key = jax.random.key(seed)
    ks = jax.random.split(key, 20)
    s = 0.05
    inp = {}
    inp["x"] = jax.random.normal(ks[0], (N, D), dtype=jnp.float32)
    inp["edge_index"] = jax.random.randint(ks[1], (2, E), 0, N, dtype=jnp.int32)
    inp["edge_attr"] = jax.random.normal(ks[2], (E, ED), dtype=jnp.float32)
    inp["batch"] = jnp.zeros((N,), dtype=jnp.int32)
    # GATv2 layer 1 params (lin_l, lin_r, lin_edge, att, bias)
    inp["Wl1"] = jax.random.normal(ks[3], (D, H * C), dtype=jnp.float32) * s
    inp["Wr1"] = jax.random.normal(ks[4], (D, H * C), dtype=jnp.float32) * s
    inp["We1"] = jax.random.normal(ks[5], (ED, H * C), dtype=jnp.float32) * s
    inp["att1"] = jax.random.normal(ks[6], (H, C), dtype=jnp.float32) * s
    inp["b1"] = jnp.zeros((H * C,), dtype=jnp.float32)
    # GATv2 layer 2 params (input dim = H*C due to concat=True)
    inp["Wl2"] = jax.random.normal(ks[7], (H * C, H * C), dtype=jnp.float32) * s
    inp["Wr2"] = jax.random.normal(ks[8], (H * C, H * C), dtype=jnp.float32) * s
    inp["We2"] = jax.random.normal(ks[9], (ED, H * C), dtype=jnp.float32) * s
    inp["att2"] = jax.random.normal(ks[10], (H, C), dtype=jnp.float32) * s
    inp["b2"] = jnp.zeros((H * C,), dtype=jnp.float32)
    # FFN head params (ffn_nlayers=1 hidden layer -> out_neurons)
    inp["Wf1"] = jax.random.normal(ks[11], (H * C, FF), dtype=jnp.float32) * s
    inp["bf1"] = jnp.zeros((FF,), dtype=jnp.float32)
    inp["Wf2"] = jax.random.normal(ks[12], (FF, OUT), dtype=jnp.float32) * s
    inp["bf2"] = jnp.zeros((OUT,), dtype=jnp.float32)
    return inp


def _gatv2_layer(x, edge_index, edge_attr, Wl, Wr, We, att, b):
    # Faithful GATv2Conv (concat=True, negative_slope=0.2, dropout off at inference)
    src = edge_index[0]
    dst = edge_index[1]
    xl = (x @ Wl).reshape(-1, H, C)  # messages (lin_l)
    xr = (x @ Wr).reshape(-1, H, C)  # destination transform (lin_r)
    e = xl[src] + xr[dst] + (edge_attr @ We).reshape(-1, H, C)
    e = jax.nn.leaky_relu(e, 0.2)
    logits = jnp.sum(e * att[None, :, :], axis=-1)  # [E, H]
    m = jax.ops.segment_max(logits, dst, num_segments=N)
    m = jnp.where(jnp.isfinite(m), m, 0.0)
    p = jnp.exp(logits - m[dst])
    denom = jax.ops.segment_sum(p, dst, num_segments=N)
    alpha = p / (denom[dst] + 1e-16)  # softmax over incoming edges per dst
    msg = xl[src] * alpha[:, :, None]
    out = jax.ops.segment_sum(msg, dst, num_segments=N)
    return out.reshape(-1, H * C) + b


def reference(x, edge_index, edge_attr, batch, Wl1, Wr1, We1, att1, b1, Wl2, Wr2, We2, att2, b2, Wf1, bf1, Wf2, bf2):
    h = jax.nn.relu(_gatv2_layer(x, edge_index, edge_attr, Wl1, Wr1, We1, att1, b1))
    h = jax.nn.relu(_gatv2_layer(h, edge_index, edge_attr, Wl2, Wr2, We2, att2, b2))
    # global mean pooling by graph id
    ones = jnp.ones((h.shape[0],), dtype=h.dtype)
    cnt = jax.ops.segment_sum(ones, batch, num_segments=1)
    pooled = jax.ops.segment_sum(h, batch, num_segments=1) / jnp.maximum(cnt, 1.0)[:, None]
    z = jax.nn.relu(pooled @ Wf1 + bf1)
    return z @ Wf2 + bf2

if __name__ == "__main__":
    import jax
    _d = setup_inputs()
    print(jax.jit(kernel)(*tuple(_d.values())))

</pallas_src>

<mosaic_0001>
#map = affine_map<(d0, d1) -> (0, 0)>
#map1 = affine_map<(d0, d1) -> (0)>
module attributes {stable_mosaic.version = 14 : i64} {
  func.func @_sc_gather_body(%arg0: i32, %arg1: i32, %arg2: memref<10240x1024xf32, #tpu.memory_space<hbm>>, %arg3: memref<360960xi32, #tpu.memory_space<hbm>>, %arg4: memref<360960x1024xf32, #tpu.memory_space<hbm>>, %arg5: memref<11280xi32, #tpu.memory_space<vmem>>, %arg6: memref<16x1024xf32, #tpu.memory_space<vmem>>, %arg7: memref<!tpu.dma_semaphore, #tpu.memory_space<semaphore_mem>>) attributes {dimension_semantics = [#tpu.dimension_semantics<core_parallel>, #tpu.dimension_semantics<subcore_parallel>], iteration_bounds = array<i64: 2, 16>, scalar_prefetch = 0 : i64, scratch_operands = 3 : i64, tpu.core_type = #tpu.core_type<sc_vector_subcore>, window_params = [{transform_indices = #map}, {transform_indices = #map1}, {transform_indices = #map}]} {
    %mul3A = arith.constant 2 : i32
    %mul3A_0 = arith.muli %arg1, %mul3A : i32
    %add3A = arith.addi %mul3A_0, %arg0 : i32
    %mul3A_1 = arith.constant 11280 : i32
    %mul3A_2 = arith.muli %add3A, %mul3A_1 : i32
    %multiple_of3A = tpu.assume_multiple %mul3A_2, 16 : i32
    "tpu.region"() ({
      %run_scoped3A = tpu.sem_alloc : memref<!tpu.dma_semaphore, #tpu.memory_space<semaphore_mem>>
      %dma_start3A = tpu.memref_slice %arg3[%multiple_of3A] : memref<360960xi32, #tpu.memory_space<hbm>> -> memref<11280xi32, #tpu.memory_space<hbm>>
      %dma_start3A_8 = tpu.memref_slice %arg3[%multiple_of3A] : memref<360960xi32, #tpu.memory_space<hbm>> -> memref<11280xi32, #tpu.memory_space<hbm>>
      tpu.enqueue_dma source(%dma_start3A_8 : memref<11280xi32, #tpu.memory_space<hbm>>) target(%arg5 : memref<11280xi32, #tpu.memory_space<vmem>>) target_semaphore(%run_scoped3A : memref<!tpu.dma_semaphore, #tpu.memory_space<semaphore_mem>>)
      %dma_wait3A = tpu.memref_slice %arg3[%multiple_of3A] : memref<360960xi32, #tpu.memory_space<hbm>> -> memref<11280xi32, #tpu.memory_space<hbm>>
      %dma_wait3A_9 = tpu.memref_slice %arg3[%multiple_of3A] : memref<360960xi32, #tpu.memory_space<hbm>> -> memref<11280xi32, #tpu.memory_space<hbm>>
      tpu.wait_dma2 semaphore(%run_scoped3A : memref<!tpu.dma_semaphore, #tpu.memory_space<semaphore_mem>>) src(%dma_wait3A_9 : memref<11280xi32, #tpu.memory_space<hbm>>) dst(%arg5 : memref<11280xi32, #tpu.memory_space<vmem>>)
      tpu.yield
    }) : () -> ()
    %scan3A = arith.constant 0 : i32
    %scan3A_3 = arith.constant 0 : i32
    %scan3A_4 = arith.constant 705 : i32
    %scan3A_5 = arith.addi %scan3A_3, %scan3A_4 : i32
    %scan3A_6 = arith.constant 1 : i32
    scf.for %scan3A_8 = %scan3A_3 to %scan3A_5 step %scan3A_6  : i32 {
      %mul3A_9 = arith.constant 16 : i32
      %mul3A_10 = arith.muli %scan3A_8, %mul3A_9 : i32
      %get3A = arith.index_cast %mul3A_10 : i32 to index
      %get3A_11 = tpu.vector_load %arg5[%get3A] {strides = array<i32>} : memref<11280xi32, #tpu.memory_space<vmem>>, vector<16xi32>,
      %get3A_12 = vector.shape_cast %get3A_11 : vector<16xi32> to vector<16xi32>
      %dma_start3A = arith.constant 0 : i32
      %dma_start3A_13 = arith.constant 0 : i32
      %dma_start3A_14 = tpu.memref_slice %arg2[%dma_start3A, %dma_start3A_13] : memref<10240x1024xf32, #tpu.memory_space<hbm>> -> memref<10240x1024xf32, #tpu.memory_space<hbm>>
      tpu.enqueue_indirect_dma source(%dma_start3A_14 : memref<10240x1024xf32, #tpu.memory_space<hbm>>) target(%arg6 : memref<16x1024xf32, #tpu.memory_space<vmem>>) offsets(%get3A_12 : vector<16xi32>) semaphore(%arg7 : memref<!tpu.dma_semaphore, #tpu.memory_space<semaphore_mem>>)
      %dma_wait3A = arith.constant 0 : i32
      %dma_wait3A_15 = arith.constant 0 : i32
      %dma_wait3A_16 = tpu.memref_slice %arg2[%dma_wait3A, %dma_wait3A_15] : memref<10240x1024xf32, #tpu.memory_space<hbm>> -> memref<10240x1024xf32, #tpu.memory_space<hbm>>
      tpu.wait_indirect_dma semaphore(%arg7 : memref<!tpu.dma_semaphore, #tpu.memory_space<semaphore_mem>>) src(%dma_wait3A_16 : memref<10240x1024xf32, #tpu.memory_space<hbm>>) dst(%arg6 : memref<16x1024xf32, #tpu.memory_space<vmem>>)
      %mul3A_17 = arith.constant 16 : i32
      %mul3A_18 = arith.muli %scan3A_8, %mul3A_17 : i32
      %add3A_19 = arith.addi %multiple_of3A, %mul3A_18 : i32
      %multiple_of3A_20 = tpu.assume_multiple %add3A_19, 16 : i32
      "tpu.region"() ({
        %run_scoped3A = tpu.sem_alloc : memref<!tpu.dma_semaphore, #tpu.memory_space<semaphore_mem>>
        %dma_start3A_21 = arith.constant 0 : i32
        %dma_start3A_22 = tpu.memref_slice %arg4[%multiple_of3A_20, %dma_start3A_21] : memref<360960x1024xf32, #tpu.memory_space<hbm>> -> memref<16x1024xf32, #tpu.memory_space<hbm>>
        %dma_start3A_23 = arith.constant 0 : i32
        %dma_start3A_24 = tpu.memref_slice %arg4[%multiple_of3A_20, %dma_start3A_23] : memref<360960x1024xf32, #tpu.memory_space<hbm>> -> memref<16x1024xf32, #tpu.memory_space<hbm>>
        tpu.enqueue_dma source(%arg6 : memref<16x1024xf32, #tpu.memory_space<vmem>>) target(%dma_start3A_24 : memref<16x1024xf32, #tpu.memory_space<hbm>>) target_semaphore(%run_scoped3A : memref<!tpu.dma_semaphore, #tpu.memory_space<semaphore_mem>>)
        %dma_wait3A_25 = arith.constant 0 : i32
        %dma_wait3A_26 = tpu.memref_slice %arg4[%multiple_of3A_20, %dma_wait3A_25] : memref<360960x1024xf32, #tpu.memory_space<hbm>> -> memref<16x1024xf32, #tpu.memory_space<hbm>>
        %dma_wait3A_27 = arith.constant 0 : i32
        %dma_wait3A_28 = tpu.memref_slice %arg4[%multiple_of3A_20, %dma_wait3A_27] : memref<360960x1024xf32, #tpu.memory_space<hbm>> -> memref<16x1024xf32, #tpu.memory_space<hbm>>
        tpu.wait_dma2 semaphore(%run_scoped3A : memref<!tpu.dma_semaphore, #tpu.memory_space<semaphore_mem>>) src(%arg6 : memref<16x1024xf32, #tpu.memory_space<vmem>>) dst(%dma_wait3A_28 : memref<16x1024xf32, #tpu.memory_space<hbm>>)
        tpu.yield
      }) : () -> ()
    }
    %scan3A_7 = arith.constant 705 : i32
    return
  }
}

#map = affine_map<(d0, d1) -> (0, 0)>
#map1 = affine_map<(d0, d1) -> (0)>
module attributes {stable_mosaic.version = 14 : i64} {
  func.func @_sc_gather_body(%arg0: i32, %arg1: i32, %arg2: memref<10240x1024xf32, #tpu.memory_space<hbm>>, %arg3: memref<360960xi32, #tpu.memory_space<hbm>>, %arg4: memref<360960x1024xf32, #tpu.memory_space<hbm>>, %arg5: memref<11280xi32, #tpu.memory_space<vmem>>, %arg6: memref<16x1024xf32, #tpu.memory_space<vmem>>, %arg7: memref<!tpu.dma_semaphore, #tpu.memory_space<semaphore_mem>>) attributes {dimension_semantics = [#tpu.dimension_semantics<core_parallel>, #tpu.dimension_semantics<subcore_parallel>], iteration_bounds = array<i64: 2, 16>, scalar_prefetch = 0 : i64, scratch_operands = 3 : i64, tpu.core_type = #tpu.core_type<sc_vector_subcore>, window_params = [{transform_indices = #map}, {transform_indices = #map1}, {transform_indices = #map}]} {
    %mul3A = arith.constant 2 : i32
    %mul3A_0 = arith.muli %arg1, %mul3A : i32
    %add3A = arith.addi %mul3A_0, %arg0 : i32
    %mul3A_1 = arith.constant 11280 : i32
    %mul3A_2 = arith.muli %add3A, %mul3A_1 : i32
    %multiple_of3A = tpu.assume_multiple %mul3A_2, 16 : i32
    "tpu.region"() ({
      %run_scoped3A = tpu.sem_alloc : memref<!tpu.dma_semaphore, #tpu.memory_space<semaphore_mem>>
      %dma_start3A = tpu.memref_slice %arg3[%multiple_of3A] : memref<360960xi32, #tpu.memory_space<hbm>> -> memref<11280xi32, #tpu.memory_space<hbm>>
      %dma_start3A_8 = tpu.memref_slice %arg3[%multiple_of3A] : memref<360960xi32, #tpu.memory_space<hbm>> -> memref<11280xi32, #tpu.memory_space<hbm>>
      tpu.enqueue_dma source(%dma_start3A_8 : memref<11280xi32, #tpu.memory_space<hbm>>) target(%arg5 : memref<11280xi32, #tpu.memory_space<vmem>>) target_semaphore(%run_scoped3A : memref<!tpu.dma_semaphore, #tpu.memory_space<semaphore_mem>>)
      %dma_wait3A = tpu.memref_slice %arg3[%multiple_of3A] : memref<360960xi32, #tpu.memory_space<hbm>> -> memref<11280xi32, #tpu.memory_space<hbm>>
      %dma_wait3A_9 = tpu.memref_slice %arg3[%multiple_of3A] : memref<360960xi32, #tpu.memory_space<hbm>> -> memref<11280xi32, #tpu.memory_space<hbm>>
      tpu.wait_dma2 semaphore(%run_scoped3A : memref<!tpu.dma_semaphore, #tpu.memory_space<semaphore_mem>>) src(%dma_wait3A_9 : memref<11280xi32, #tpu.memory_space<hbm>>) dst(%arg5 : memref<11280xi32, #tpu.memory_space<vmem>>)
      tpu.yield
    }) : () -> ()
    %scan3A = arith.constant 0 : i32
    %scan3A_3 = arith.constant 0 : i32
    %scan3A_4 = arith.constant 705 : i32
    %scan3A_5 = arith.addi %scan3A_3, %scan3A_4 : i32
    %scan3A_6 = arith.constant 1 : i32
    scf.for %scan3A_8 = %scan3A_3 to %scan3A_5 step %scan3A_6  : i32 {
      %mul3A_9 = arith.constant 16 : i32
      %mul3A_10 = arith.muli %scan3A_8, %mul3A_9 : i32
      %get3A = arith.index_cast %mul3A_10 : i32 to index
      %get3A_11 = tpu.vector_load %arg5[%get3A] {strides = array<i32>} : memref<11280xi32, #tpu.memory_space<vmem>>, vector<16xi32>,
      %get3A_12 = vector.shape_cast %get3A_11 : vector<16xi32> to vector<16xi32>
      %dma_start3A = arith.constant 0 : i32
      %dma_start3A_13 = arith.constant 0 : i32
      %dma_start3A_14 = tpu.memref_slice %arg2[%dma_start3A, %dma_start3A_13] : memref<10240x1024xf32, #tpu.memory_space<hbm>> -> memref<10240x1024xf32, #tpu.memory_space<hbm>>
      tpu.enqueue_indirect_dma source(%dma_start3A_14 : memref<10240x1024xf32, #tpu.memory_space<hbm>>) target(%arg6 : memref<16x1024xf32, #tpu.memory_space<vmem>>) offsets(%get3A_12 : vector<16xi32>) semaphore(%arg7 : memref<!tpu.dma_semaphore, #tpu.memory_space<semaphore_mem>>)
      %dma_wait3A = arith.constant 0 : i32
      %dma_wait3A_15 = arith.constant 0 : i32
      %dma_wait3A_16 = tpu.memref_slice %arg2[%dma_wait3A, %dma_wait3A_15] : memref<10240x1024xf32, #tpu.memory_space<hbm>> -> memref<10240x1024xf32, #tpu.memory_space<hbm>>
      tpu.wait_indirect_dma semaphore(%arg7 : memref<!tpu.dma_semaphore, #tpu.memory_space<semaphore_mem>>) src(%dma_wait3A_16 : memref<10240x1024xf32, #tpu.memory_space<hbm>>) dst(%arg6 : memref<16x1024xf32, #tpu.memory_space<vmem>>)
      %mul3A_17 = arith.constant 16 : i32
      %mul3A_18 = arith.muli %scan3A_8, %mul3A_17 : i32
      %add3A_19 = arith.addi %multiple_of3A, %mul3A_18 : i32
      %multiple_of3A_20 = tpu.assume_multiple %add3A_19, 16 : i32
      "tpu.region"() ({
        %run_scoped3A = tpu.sem_alloc : memref<!tpu.dma_semaphore, #tpu.memory_space<semaphore_mem>>
        %dma_start3A_21 = arith.constant 0 : i32
        %dma_start3A_22 = tpu.memref_slice %arg4[%multiple_of3A_20, %dma_start3A_21] : memref<360960x1024xf32, #tpu.memory_space<hbm>> -> memref<16x1024xf32, #tpu.memory_space<hbm>>
        %dma_start3A_23 = arith.constant 0 : i32
        %dma_start3A_24 = tpu.memref_slice %arg4[%multiple_of3A_20, %dma_start3A_23] : memref<360960x1024xf32, #tpu.memory_space<hbm>> -> memref<16x1024xf32, #tpu.memory_space<hbm>>
        tpu.enqueue_dma source(%arg6 : memref<16x1024xf32, #tpu.memory_space<vmem>>) target(%dma_start3A_24 : memref<16x1024xf32, #tpu.memory_space<hbm>>) target_semaphore(%run_scoped3A : memref<!tpu.dma_semaphore, #tpu.memory_space<semaphore_mem>>)
        %dma_wait3A_25 = arith.constant 0 : i32
        %dma_wait3A_26 = tpu.memref_slice %arg4[%multiple_of3A_20, %dma_wait3A_25] : memref<360960x1024xf32, #tpu.memory_space<hbm>> -> memref<16x1024xf32, #tpu.memory_space<hbm>>
        %dma_wait3A_27 = arith.constant 0 : i32
        %dma_wait3A_28 = tpu.memref_slice %arg4[%multiple_of3A_20, %dma_wait3A_27] : memref<360960x1024xf32, #tpu.memory_space<hbm>> -> memref<16x1024xf32, #tpu.memory_space<hbm>>
        tpu.wait_dma2 semaphore(%run_scoped3A : memref<!tpu.dma_semaphore, #tpu.memory_space<semaphore_mem>>) src(%arg6 : memref<16x1024xf32, #tpu.memory_space<vmem>>) dst(%dma_wait3A_28 : memref<16x1024xf32, #tpu.memory_space<hbm>>)
        tpu.yield
      }) : () -> ()
    }
    %scan3A_7 = arith.constant 705 : i32
    return
  }
}

module attributes {stable_mosaic.version = 14 : i64} {
  func.func @_proj_body(%arg0: i32, %arg1: memref<256x128xf32, #tpu.memory_space<vmem>>, %arg2: memref<128x1024xf32, #tpu.memory_space<vmem>>, %arg3: memref<128x1024xf32, #tpu.memory_space<vmem>>, %arg4: memref<256x1024xf32, #tpu.memory_space<vmem>>, %arg5: memref<256x1024xf32, #tpu.memory_space<vmem>>) attributes {dimension_semantics = [#tpu.dimension_semantics<arbitrary>], iteration_bounds = array<i64: 40>, scalar_prefetch = 0 : i64, scratch_operands = 0 : i64, tpu.core_type = #tpu.core_type<tc>, window_params = [{transform_indices = @transform_0, window_bounds = array<i64: 256, 128>}, {pipeline_mode = #tpu.pipeline_mode<synchronous>, transform_indices = @transform_1, window_bounds = array<i64: 128, 1024>}, {pipeline_mode = #tpu.pipeline_mode<synchronous>, transform_indices = @transform_2, window_bounds = array<i64: 128, 1024>}, {transform_indices = @transform_3, window_bounds = array<i64: 256, 1024>}, {transform_indices = @transform_4, window_bounds = array<i64: 256, 1024>}]} {
    %get3A = arith.constant 0 : index
    %get3A_0 = arith.constant 0 : index
    %get3A_1 = vector.load %arg1[%get3A, %get3A_0] : memref<256x128xf32, #tpu.memory_space<vmem>>, vector<256x128xf32>
    %get3A_2 = arith.constant 0 : index
    %get3A_3 = arith.constant 0 : index
    %get3A_4 = vector.load %arg2[%get3A_2, %get3A_3] : memref<128x1024xf32, #tpu.memory_space<vmem>>, vector<128x1024xf32>
    %dot_general3A = arith.constant dense<0.000000e+00> : vector<256x1024xf32>
    %dot_general3A_5 = tpu.matmul %get3A_1, %get3A_4, %dot_general3A {dimension_numbers = #tpu.dot_dimension_numbers<[1], [0], [0], [1], [0, 0, 1, 1], [], []>, transpose_lhs_hint = false} : vector<256x128xf32>, vector<128x1024xf32>, vector<256x1024xf32> -> vector<256x1024xf32>
    %swap3A = arith.constant 0 : index
    %swap3A_6 = arith.constant 0 : index
    %swap3A_7 = vector.load %arg4[%swap3A, %swap3A_6] : memref<256x1024xf32, #tpu.memory_space<vmem>>, vector<256x1024xf32>
    tpu.vector_store %arg4[%swap3A, %swap3A_6], %dot_general3A_5 {strides = array<i32>} : memref<256x1024xf32, #tpu.memory_space<vmem>>, vector<256x1024xf32>,
    %get3A_8 = arith.constant 0 : index
    %get3A_9 = arith.constant 0 : index
    %get3A_10 = vector.load %arg3[%get3A_8, %get3A_9] : memref<128x1024xf32, #tpu.memory_space<vmem>>, vector<128x1024xf32>
    %dot_general3A_11 = arith.constant dense<0.000000e+00> : vector<256x1024xf32>
    %dot_general3A_12 = tpu.matmul %get3A_1, %get3A_10, %dot_general3A_11 {dimension_numbers = #tpu.dot_dimension_numbers<[1], [0], [0], [1], [0, 0, 1, 1], [], []>, transpose_lhs_hint = false} : vector<256x128xf32>, vector<128x1024xf32>, vector<256x1024xf32> -> vector<256x1024xf32>
    %swap3A_13 = arith.constant 0 : index
    %swap3A_14 = arith.constant 0 : index
    %swap3A_15 = vector.load %arg5[%swap3A_13, %swap3A_14] : memref<256x1024xf32, #tpu.memory_space<vmem>>, vector<256x1024xf32>
    tpu.vector_store %arg5[%swap3A_13, %swap3A_14], %dot_general3A_12 {strides = array<i32>} : memref<256x1024xf32, #tpu.memory_space<vmem>>, vector<256x1024xf32>,
    return
  }
  func.func @transform_0(%arg0: i32) -> (i32, i32) {
    %c0_i32 = arith.constant 0 : i32
    %c0_i32_0 = arith.constant 0 : i32
    return %arg0, %c0_i32 : i32, i32
  }
  func.func @transform_1(%arg0: i32) -> (i32, i32) {
    %c0_i32 = arith.constant 0 : i32
    %c0_i32_0 = arith.constant 0 : i32
    %c0_i32_1 = arith.constant 0 : i32
    return %c0_i32, %c0_i32_0 : i32, i32
  }
  func.func @transform_2(%arg0: i32) -> (i32, i32) {
    %c0_i32 = arith.constant 0 : i32
    %c0_i32_0 = arith.constant 0 : i32
    %c0_i32_1 = arith.constant 0 : i32
    return %c0_i32, %c0_i32_0 : i32, i32
  }
  func.func @transform_3(%arg0: i32) -> (i32, i32) {
    %c0_i32 = arith.constant 0 : i32
    %c0_i32_0 = arith.constant 0 : i32
    return %arg0, %c0_i32 : i32, i32
  }
  func.func @transform_4(%arg0: i32) -> (i32, i32) {
    %c0_i32 = arith.constant 0 : i32
    %c0_i32_0 = arith.constant 0 : i32
    return %arg0, %c0_i32 : i32, i32
  }
}

module attributes {stable_mosaic.version = 14 : i64} {
  func.func @_edge_body(%arg0: i32, %arg1: memref<2820xi32, #tpu.memory_space<smem>>, %arg2: memref<2820xi32, #tpu.memory_space<smem>>, %arg3: memref<128x1024xf32, #tpu.memory_space<vmem>>, %arg4: memref<128x16xf32, #tpu.memory_space<vmem>>, %arg5: memref<16x1024xf32, #tpu.memory_space<vmem>>, %arg6: memref<32x1024xf32, #tpu.memory_space<vmem>>, %arg7: memref<128x1xi32, #tpu.memory_space<vmem>>, %arg8: memref<128x1xf32, #tpu.memory_space<vmem>>, %arg9: memref<1x1024xf32, #tpu.memory_space<vmem>>, %arg10: memref<32x1024xf32, #tpu.memory_space<vmem>>, %arg11: memref<32x16xf32, #tpu.memory_space<vmem>>) attributes {dimension_semantics = [#tpu.dimension_semantics<arbitrary>], iteration_bounds = array<i64: 2820>, scalar_prefetch = 2 : i64, scratch_operands = 0 : i64, tpu.core_type = #tpu.core_type<tc>, window_params = [{transform_indices = @transform_0, window_bounds = array<i64: 128, 1024>}, {transform_indices = @transform_1, window_bounds = array<i64: 128, 16>}, {pipeline_mode = #tpu.pipeline_mode<synchronous>, transform_indices = @transform_2, window_bounds = array<i64: 16, 1024>}, {transform_indices = @transform_3, window_bounds = array<i64: 32, 1024>}, {transform_indices = @transform_4, window_bounds = array<i64: 128, 1>}, {transform_indices = @transform_5, window_bounds = array<i64: 128, 1>}, {pipeline_mode = #tpu.pipeline_mode<synchronous>, transform_indices = @transform_6, window_bounds = array<i64: 1, 1024>}, {transform_indices = @transform_7, window_bounds = array<i64: 32, 1024>}, {transform_indices = @transform_8, window_bounds = array<i64: 32, 16>}]} {
    %get3A = arith.constant 0 : index
    %get3A_0 = arith.constant 0 : index
    %get3A_1 = vector.load %arg3[%get3A, %get3A_0] : memref<128x1024xf32, #tpu.memory_space<vmem>>, vector<128x1024xf32>
    %iota3A = tpu.iota {dimensions = array<i32: 1>} : vector<128x32xi32>
    %get3A_2 = arith.constant 0 : index
    %get3A_3 = arith.constant 0 : index
    %get3A_4 = vector.load %arg7[%get3A_2, %get3A_3] : memref<128x1xi32, #tpu.memory_space<vmem>>, vector<128x1xi32>
    %eq3A = vector.broadcast %get3A_4 : vector<128x1xi32> to vector<128x32xi32>
    %eq3A_5 = arith.cmpi eq, %eq3A, %iota3A : vector<128x32xi32>
    %jit3A = arith.constant 1.000000e+00 : f32
    %jit3A_6 = arith.constant 0.000000e+00 : f32
    %broadcast_in_dim3A = vector.broadcast %jit3A : f32 to vector<128x32xf32>
    %broadcast_in_dim3A_7 = vector.broadcast %jit3A_6 : f32 to vector<128x32xf32>
    %select_n3A = arith.select %eq3A_5, %broadcast_in_dim3A, %broadcast_in_dim3A_7 : vector<128x32xi1>, vector<128x32xf32>
    %get3A_8 = arith.constant 0 : index
    %get3A_9 = arith.constant 0 : index
    %get3A_10 = vector.load %arg6[%get3A_8, %get3A_9] : memref<32x1024xf32, #tpu.memory_space<vmem>>, vector<32x1024xf32>
    %dot_general3A = arith.constant dense<0.000000e+00> : vector<128x1024xf32>
    %dot_general3A_11 = tpu.matmul %select_n3A, %get3A_10, %dot_general3A {dimension_numbers = #tpu.dot_dimension_numbers<[1], [0], [0], [1], [0, 0, 1, 1], [], []>, transpose_lhs_hint = false} : vector<128x32xf32>, vector<32x1024xf32>, vector<128x1024xf32> -> vector<128x1024xf32>
    %get3A_12 = arith.constant 0 : index
    %get3A_13 = arith.constant 0 : index
    %get3A_14 = vector.load %arg4[%get3A_12, %get3A_13] : memref<128x16xf32, #tpu.memory_space<vmem>>, vector<128x16xf32>
    %get3A_15 = arith.constant 0 : index
    %get3A_16 = arith.constant 0 : index
    %get3A_17 = vector.load %arg5[%get3A_15, %get3A_16] : memref<16x1024xf32, #tpu.memory_space<vmem>>, vector<16x1024xf32>
    %dot_general3A_18 = arith.constant dense<0.000000e+00> : vector<128x1024xf32>
    %dot_general3A_19 = tpu.matmul %get3A_14, %get3A_17, %dot_general3A_18 {dimension_numbers = #tpu.dot_dimension_numbers<[1], [0], [0], [1], [0, 0, 1, 1], [], []>, transpose_lhs_hint = false} : vector<128x16xf32>, vector<16x1024xf32>, vector<128x1024xf32> -> vector<128x1024xf32>
    %add3A = arith.addf %get3A_1, %dot_general3A_11 : vector<128x1024xf32>
    %add3A_20 = arith.addf %add3A, %dot_general3A_19 : vector<128x1024xf32>
    %mul3A = arith.constant 2.000000e-01 : f32
    %mul3A_21 = vector.broadcast %mul3A : f32 to vector<128x1024xf32>
    %mul3A_22 = arith.mulf %mul3A_21, %add3A_20 : vector<128x1024xf32>
    %max3A = arith.maximumf %add3A_20, %mul3A_22 : vector<128x1024xf32>
    %get3A_23 = arith.constant 0 : index
    %get3A_24 = arith.constant 0 : index
    %get3A_25 = vector.load %arg9[%get3A_23, %get3A_24] : memref<1x1024xf32, #tpu.memory_space<vmem>>, vector<1x1024xf32>
    %mul3A_26 = vector.broadcast %get3A_25 : vector<1x1024xf32> to vector<128x1024xf32>
    %mul3A_27 = arith.mulf %max3A, %mul3A_26 : vector<128x1024xf32>
    %iota3A_28 = tpu.iota {dimensions = array<i32: 0>} : vector<1024x16xi32>
    %iota3A_29 = tpu.iota {dimensions = array<i32: 1>} : vector<1024x16xi32>
    %jit3A_30 = arith.constant 128 : i32
    %div3A = vector.broadcast %jit3A_30 : i32 to vector<1024x16xi32>
    %div3A_31 = arith.divsi %iota3A_28, %div3A : vector<1024x16xi32>
    %sign3A = arith.constant 0 : i32
    %sign3A_32 = vector.broadcast %sign3A : i32 to vector<1024x16xi32>
    %sign3A_33 = arith.cmpi sgt, %iota3A_28, %sign3A_32 : vector<1024x16xi32>
    %sign3A_34 = arith.extui %sign3A_33 : vector<1024x16xi1> to vector<1024x16xi32>
    %sign3A_35 = arith.constant 0 : i32
    %sign3A_36 = vector.broadcast %sign3A_35 : i32 to vector<1024x16xi32>
    %sign3A_37 = arith.cmpi slt, %iota3A_28, %sign3A_36 : vector<1024x16xi32>
    %sign3A_38 = arith.extui %sign3A_37 : vector<1024x16xi1> to vector<1024x16xi32>
    %sign3A_39 = arith.subi %sign3A_34, %sign3A_38 : vector<1024x16xi32>
    %sign3A_40 = arith.constant 0 : i32
    %sign3A_41 = arith.cmpi sgt, %jit3A_30, %sign3A_40 : i32
    %sign3A_42 = arith.extui %sign3A_41 : i1 to i32
    %sign3A_43 = arith.constant 0 : i32
    %sign3A_44 = arith.cmpi slt, %jit3A_30, %sign3A_43 : i32
    %sign3A_45 = arith.extui %sign3A_44 : i1 to i32
    %sign3A_46 = arith.subi %sign3A_42, %sign3A_45 : i32
    %ne3A = vector.broadcast %sign3A_46 : i32 to vector<1024x16xi32>
    %ne3A_47 = arith.cmpi ne, %sign3A_39, %ne3A : vector<1024x16xi32>
    %rem3A = vector.broadcast %jit3A_30 : i32 to vector<1024x16xi32>
    %rem3A_48 = arith.remsi %iota3A_28, %rem3A : vector<1024x16xi32>
    %ne3A_49 = arith.constant 0 : i32
    %ne3A_50 = vector.broadcast %ne3A_49 : i32 to vector<1024x16xi32>
    %ne3A_51 = arith.cmpi ne, %rem3A_48, %ne3A_50 : vector<1024x16xi32>
    %and3A = arith.andi %ne3A_47, %ne3A_51 : vector<1024x16xi1>
    %sub3A = arith.constant 1 : i32
    %sub3A_52 = vector.broadcast %sub3A : i32 to vector<1024x16xi32>
    %sub3A_53 = arith.subi %div3A_31, %sub3A_52 : vector<1024x16xi32>
    %select_n3A_54 = arith.select %and3A, %sub3A_53, %div3A_31 : vector<1024x16xi1>, vector<1024x16xi32>
    %eq3A_55 = arith.cmpi eq, %select_n3A_54, %iota3A_29 : vector<1024x16xi32>
    %jit3A_56 = arith.constant 1.000000e+00 : f32
    %jit3A_57 = arith.constant 0.000000e+00 : f32
    %broadcast_in_dim3A_58 = vector.broadcast %jit3A_56 : f32 to vector<1024x16xf32>
    %broadcast_in_dim3A_59 = vector.broadcast %jit3A_57 : f32 to vector<1024x16xf32>
    %select_n3A_60 = arith.select %eq3A_55, %broadcast_in_dim3A_58, %broadcast_in_dim3A_59 : vector<1024x16xi1>, vector<1024x16xf32>
    %dot_general3A_61 = arith.constant dense<0.000000e+00> : vector<128x16xf32>
    %dot_general3A_62 = tpu.matmul %mul3A_27, %select_n3A_60, %dot_general3A_61 {dimension_numbers = #tpu.dot_dimension_numbers<[1], [0], [0], [1], [0, 0, 1, 1], [], []>, transpose_lhs_hint = false} : vector<128x1024xf32>, vector<1024x16xf32>, vector<128x16xf32> -> vector<128x16xf32>
    %exp3A = math.exp %dot_general3A_62 : vector<128x16xf32>
    %get3A_63 = arith.constant 0 : index
    %get3A_64 = arith.constant 0 : index
    %get3A_65 = vector.load %arg8[%get3A_63, %get3A_64] : memref<128x1xf32, #tpu.memory_space<vmem>>, vector<128x1xf32>
    %mul3A_66 = vector.broadcast %get3A_65 : vector<128x1xf32> to vector<128x16xf32>
    %mul3A_67 = arith.mulf %exp3A, %mul3A_66 : vector<128x16xf32>
    %iota3A_68 = tpu.iota {dimensions = array<i32: 0>} : vector<16x1024xi32>
    %iota3A_69 = tpu.iota {dimensions = array<i32: 1>} : vector<16x1024xi32>
    %jit3A_70 = arith.constant 128 : i32
    %div3A_71 = vector.broadcast %jit3A_70 : i32 to vector<16x1024xi32>
    %div3A_72 = arith.divsi %iota3A_69, %div3A_71 : vector<16x1024xi32>
    %sign3A_73 = arith.constant 0 : i32
    %sign3A_74 = vector.broadcast %sign3A_73 : i32 to vector<16x1024xi32>
    %sign3A_75 = arith.cmpi sgt, %iota3A_69, %sign3A_74 : vector<16x1024xi32>
    %sign3A_76 = arith.extui %sign3A_75 : vector<16x1024xi1> to vector<16x1024xi32>
    %sign3A_77 = arith.constant 0 : i32
    %sign3A_78 = vector.broadcast %sign3A_77 : i32 to vector<16x1024xi32>
    %sign3A_79 = arith.cmpi slt, %iota3A_69, %sign3A_78 : vector<16x1024xi32>
    %sign3A_80 = arith.extui %sign3A_79 : vector<16x1024xi1> to vector<16x1024xi32>
    %sign3A_81 = arith.subi %sign3A_76, %sign3A_80 : vector<16x1024xi32>
    %sign3A_82 = arith.constant 0 : i32
    %sign3A_83 = arith.cmpi sgt, %jit3A_70, %sign3A_82 : i32
    %sign3A_84 = arith.extui %sign3A_83 : i1 to i32
    %sign3A_85 = arith.constant 0 : i32
    %sign3A_86 = arith.cmpi slt, %jit3A_70, %sign3A_85 : i32
    %sign3A_87 = arith.extui %sign3A_86 : i1 to i32
    %sign3A_88 = arith.subi %sign3A_84, %sign3A_87 : i32
    %ne3A_89 = vector.broadcast %sign3A_88 : i32 to vector<16x1024xi32>
    %ne3A_90 = arith.cmpi ne, %sign3A_81, %ne3A_89 : vector<16x1024xi32>
    %rem3A_91 = vector.broadcast %jit3A_70 : i32 to vector<16x1024xi32>
    %rem3A_92 = arith.remsi %iota3A_69, %rem3A_91 : vector<16x1024xi32>
    %ne3A_93 = arith.constant 0 : i32
    %ne3A_94 = vector.broadcast %ne3A_93 : i32 to vector<16x1024xi32>
    %ne3A_95 = arith.cmpi ne, %rem3A_92, %ne3A_94 : vector<16x1024xi32>
    %and3A_96 = arith.andi %ne3A_90, %ne3A_95 : vector<16x1024xi1>
    %sub3A_97 = arith.constant 1 : i32
    %sub3A_98 = vector.broadcast %sub3A_97 : i32 to vector<16x1024xi32>
    %sub3A_99 = arith.subi %div3A_72, %sub3A_98 : vector<16x1024xi32>
    %select_n3A_100 = arith.select %and3A_96, %sub3A_99, %div3A_72 : vector<16x1024xi1>, vector<16x1024xi32>
    %eq3A_101 = arith.cmpi eq, %select_n3A_100, %iota3A_68 : vector<16x1024xi32>
    %jit3A_102 = arith.constant 1.000000e+00 : f32
    %jit3A_103 = arith.constant 0.000000e+00 : f32
    %broadcast_in_dim3A_104 = vector.broadcast %jit3A_102 : f32 to vector<16x1024xf32>
    %broadcast_in_dim3A_105 = vector.broadcast %jit3A_103 : f32 to vector<16x1024xf32>
    %select_n3A_106 = arith.select %eq3A_101, %broadcast_in_dim3A_104, %broadcast_in_dim3A_105 : vector<16x1024xi1>, vector<16x1024xf32>
    %dot_general3A_107 = arith.constant dense<0.000000e+00> : vector<128x1024xf32>
    %dot_general3A_108 = tpu.matmul %mul3A_67, %select_n3A_106, %dot_general3A_107 {dimension_numbers = #tpu.dot_dimension_numbers<[1], [0], [0], [1], [0, 0, 1, 1], [], []>, transpose_lhs_hint = false} : vector<128x16xf32>, vector<16x1024xf32>, vector<128x1024xf32> -> vector<128x1024xf32>
    %dot_general3A_109 = arith.constant dense<0.000000e+00> : vector<32x16xf32>
    %dot_general3A_110 = tpu.matmul %select_n3A, %mul3A_67, %dot_general3A_109 {dimension_numbers = #tpu.dot_dimension_numbers<[0], [0], [1], [1], [0, 1, 1, 1], [], []>, transpose_lhs_hint = false} : vector<128x32xf32>, vector<128x16xf32>, vector<32x16xf32> -> vector<32x16xf32>
    %mul3A_111 = arith.mulf %dot_general3A_108, %get3A_1 : vector<128x1024xf32>
    %dot_general3A_112 = arith.constant dense<0.000000e+00> : vector<32x1024xf32>
    %dot_general3A_113 = tpu.matmul %select_n3A, %mul3A_111, %dot_general3A_112 {dimension_numbers = #tpu.dot_dimension_numbers<[0], [0], [1], [1], [0, 1, 1, 1], [], []>, transpose_lhs_hint = false} : vector<128x32xf32>, vector<128x1024xf32>, vector<32x1024xf32> -> vector<32x1024xf32>
    %get3A_114 = arith.index_cast %arg0 : i32 to index
    %get3A_115 = memref.load %arg2[%get3A_114] : memref<2820xi32, #tpu.memory_space<smem>>
    %eq3A_116 = arith.constant 1 : i32
    %eq3A_117 = arith.cmpi eq, %get3A_115, %eq3A_116 : i32
    %convert_element_type3A = arith.extui %eq3A_117 : i1 to i32
    %cond3A = arith.constant 0 : i32
    %cond3A_118 = arith.cmpi ne, %convert_element_type3A, %cond3A : i32
    scf.if %cond3A_118 {
      %broadcast_in_dim3A_132 = arith.constant 0.000000e+00 : f32
      %broadcast_in_dim3A_133 = vector.broadcast %broadcast_in_dim3A_132 : f32 to vector<32x1024xf32>
      %swap3A_134 = arith.constant 0 : index
      %swap3A_135 = arith.constant 0 : index
      %swap3A_136 = vector.load %arg10[%swap3A_134, %swap3A_135] : memref<32x1024xf32, #tpu.memory_space<vmem>>, vector<32x1024xf32>
      tpu.vector_store %arg10[%swap3A_134, %swap3A_135], %broadcast_in_dim3A_133 {strides = array<i32>} : memref<32x1024xf32, #tpu.memory_space<vmem>>, vector<32x1024xf32>,
      %broadcast_in_dim3A_137 = arith.constant 0.000000e+00 : f32
      %broadcast_in_dim3A_138 = vector.broadcast %broadcast_in_dim3A_137 : f32 to vector<32x16xf32>
      %swap3A_139 = arith.constant 0 : index
      %swap3A_140 = arith.constant 0 : index
      %swap3A_141 = vector.load %arg11[%swap3A_139, %swap3A_140] : memref<32x16xf32, #tpu.memory_space<vmem>>, vector<32x16xf32>
      tpu.vector_store %arg11[%swap3A_139, %swap3A_140], %broadcast_in_dim3A_138 {strides = array<i32>} : memref<32x16xf32, #tpu.memory_space<vmem>>, vector<32x16xf32>,
    } else {
    }
    %get3A_119 = arith.constant 0 : index
    %get3A_120 = arith.constant 0 : index
    %get3A_121 = vector.load %arg10[%get3A_119, %get3A_120] : memref<32x1024xf32, #tpu.memory_space<vmem>>, vector<32x1024xf32>
    %add3A_122 = arith.addf %get3A_121, %dot_general3A_113 : vector<32x1024xf32>
    %swap3A = arith.constant 0 : index
    %swap3A_123 = arith.constant 0 : index
    %swap3A_124 = vector.load %arg10[%swap3A, %swap3A_123] : memref<32x1024xf32, #tpu.memory_space<vmem>>, vector<32x1024xf32>
    tpu.vector_store %arg10[%swap3A, %swap3A_123], %add3A_122 {strides = array<i32>} : memref<32x1024xf32, #tpu.memory_space<vmem>>, vector<32x1024xf32>,
    %get3A_125 = arith.constant 0 : index
    %get3A_126 = arith.constant 0 : index
    %get3A_127 = vector.load %arg11[%get3A_125, %get3A_126] : memref<32x16xf32, #tpu.memory_space<vmem>>, vector<32x16xf32>
    %add3A_128 = arith.addf %get3A_127, %dot_general3A_110 : vector<32x16xf32>
    %swap3A_129 = arith.constant 0 : index
    %swap3A_130 = arith.constant 0 : index
    %swap3A_131 = vector.load %arg11[%swap3A_129, %swap3A_130] : memref<32x16xf32, #tpu.memory_space<vmem>>, vector<32x16xf32>
    tpu.vector_store %arg11[%swap3A_129, %swap3A_130], %add3A_128 {strides = array<i32>} : memref<32x16xf32, #tpu.memory_space<vmem>>, vector<32x16xf32>,
    return
  }
  func.func @transform_0(%arg0: i32, %arg1: memref<2820xi32, #tpu.memory_space<smem>>, %arg2: memref<2820xi32, #tpu.memory_space<smem>>) -> (i32, i32) {
    %c0_i32 = arith.constant 0 : i32
    %c0_i32_0 = arith.constant 0 : i32
    return %arg0, %c0_i32 : i32, i32
  }
  func.func @transform_1(%arg0: i32, %arg1: memref<2820xi32, #tpu.memory_space<smem>>, %arg2: memref<2820xi32, #tpu.memory_space<smem>>) -> (i32, i32) {
    %c0_i32 = arith.constant 0 : i32
    %c0_i32_0 = arith.constant 0 : i32
    return %arg0, %c0_i32 : i32, i32
  }
  func.func @transform_2(%arg0: i32, %arg1: memref<2820xi32, #tpu.memory_space<smem>>, %arg2: memref<2820xi32, #tpu.memory_space<smem>>) -> (i32, i32) {
    %c0_i32 = arith.constant 0 : i32
    %c0_i32_0 = arith.constant 0 : i32
    %c0_i32_1 = arith.constant 0 : i32
    return %c0_i32, %c0_i32_0 : i32, i32
  }
  func.func @transform_3(%arg0: i32, %arg1: memref<2820xi32, #tpu.memory_space<smem>>, %arg2: memref<2820xi32, #tpu.memory_space<smem>>) -> (i32, i32) {
    %get3A = arith.index_cast %arg0 : i32 to index
    %get3A_0 = memref.load %arg1[%get3A] : memref<2820xi32, #tpu.memory_space<smem>>
    %c0_i32 = arith.constant 0 : i32
    %c0_i32_1 = arith.constant 0 : i32
    return %get3A_0, %c0_i32 : i32, i32
  }
  func.func @transform_4(%arg0: i32, %arg1: memref<2820xi32, #tpu.memory_space<smem>>, %arg2: memref<2820xi32, #tpu.memory_space<smem>>) -> (i32, i32) {
    %c0_i32 = arith.constant 0 : i32
    %c0_i32_0 = arith.constant 0 : i32
    return %arg0, %c0_i32 : i32, i32
  }
  func.func @transform_5(%arg0: i32, %arg1: memref<2820xi32, #tpu.memory_space<smem>>, %arg2: memref<2820xi32, #tpu.memory_space<smem>>) -> (i32, i32) {
    %c0_i32 = arith.constant 0 : i32
    %c0_i32_0 = arith.constant 0 : i32
    return %arg0, %c0_i32 : i32, i32
  }
  func.func @transform_6(%arg0: i32, %arg1: memref<2820xi32, #tpu.memory_space<smem>>, %arg2: memref<2820xi32, #tpu.memory_space<smem>>) -> (i32, i32) {
    %c0_i32 = arith.constant 0 : i32
    %c0_i32_0 = arith.constant 0 : i32
    %c0_i32_1 = arith.constant 0 : i32
    return %c0_i32, %c0_i32_0 : i32, i32
  }
  func.func @transform_7(%arg0: i32, %arg1: memref<2820xi32, #tpu.memory_space<smem>>, %arg2: memref<2820xi32, #tpu.memory_space<smem>>) -> (i32, i32) {
    %get3A = arith.index_cast %arg0 : i32 to index
    %get3A_0 = memref.load %arg1[%get3A] : memref<2820xi32, #tpu.memory_space<smem>>
    %c0_i32 = arith.constant 0 : i32
    %c0_i32_1 = arith.constant 0 : i32
    return %get3A_0, %c0_i32 : i32, i32
  }
  func.func @transform_8(%arg0: i32, %arg1: memref<2820xi32, #tpu.memory_space<smem>>, %arg2: memref<2820xi32, #tpu.memory_space<smem>>) -> (i32, i32) {
    %get3A = arith.index_cast %arg0 : i32 to index
    %get3A_0 = memref.load %arg1[%get3A] : memref<2820xi32, #tpu.memory_space<smem>>
    %c0_i32 = arith.constant 0 : i32
    %c0_i32_1 = arith.constant 0 : i32
    return %get3A_0, %c0_i32 : i32, i32
  }
}

module attributes {stable_mosaic.version = 14 : i64} {
  func.func @_epi_body(%arg0: i32, %arg1: memref<256x1024xf32, #tpu.memory_space<vmem>>, %arg2: memref<256x16xf32, #tpu.memory_space<vmem>>, %arg3: memref<1x1024xf32, #tpu.memory_space<vmem>>, %arg4: memref<1024x1024xf32, #tpu.memory_space<vmem>>, %arg5: memref<1024x1024xf32, #tpu.memory_space<vmem>>, %arg6: memref<256x1024xf32, #tpu.memory_space<vmem>>, %arg7: memref<256x1024xf32, #tpu.memory_space<vmem>>) attributes {dimension_semantics = [#tpu.dimension_semantics<arbitrary>], iteration_bounds = array<i64: 40>, scalar_prefetch = 0 : i64, scratch_operands = 0 : i64, tpu.core_type = #tpu.core_type<tc>, window_params = [{transform_indices = @transform_0, window_bounds = array<i64: 256, 1024>}, {transform_indices = @transform_1, window_bounds = array<i64: 256, 16>}, {pipeline_mode = #tpu.pipeline_mode<synchronous>, transform_indices = @transform_2, window_bounds = array<i64: 1, 1024>}, {pipeline_mode = #tpu.pipeline_mode<synchronous>, transform_indices = @transform_3, window_bounds = array<i64: 1024, 1024>}, {pipeline_mode = #tpu.pipeline_mode<synchronous>, transform_indices = @transform_4, window_bounds = array<i64: 1024, 1024>}, {transform_indices = @transform_5, window_bounds = array<i64: 256, 1024>}, {transform_indices = @transform_6, window_bounds = array<i64: 256, 1024>}]} {
    %get3A = arith.constant 0 : index
    %get3A_0 = arith.constant 0 : index
    %get3A_1 = vector.load %arg1[%get3A, %get3A_0] : memref<256x1024xf32, #tpu.memory_space<vmem>>, vector<256x1024xf32>
    %get3A_2 = arith.constant 0 : index
    %get3A_3 = arith.constant 0 : index
    %get3A_4 = vector.load %arg2[%get3A_2, %get3A_3] : memref<256x16xf32, #tpu.memory_space<vmem>>, vector<256x16xf32>
    %get3A_5 = arith.constant 0 : index
    %get3A_6 = arith.constant 0 : index
    %get3A_7 = vector.load %arg3[%get3A_5, %get3A_6] : memref<1x1024xf32, #tpu.memory_space<vmem>>, vector<1x1024xf32>
    %slice3A = vector.extract_strided_slice %get3A_4 {offsets = [0, 0], sizes = [256, 8], strides = [1, 1]} : vector<256x16xf32> to vector<256x8xf32>
    %add3A = arith.constant 1.000000e-16 : f32
    %add3A_8 = vector.broadcast %add3A : f32 to vector<256x8xf32>
    %add3A_9 = arith.addf %slice3A, %add3A_8 : vector<256x8xf32>
    %div3A = arith.constant 1.000000e+00 : f32
    %div3A_10 = vector.broadcast %div3A : f32 to vector<256x8xf32>
    %div3A_11 = arith.divf %div3A_10, %add3A_9 : vector<256x8xf32>
    %iota3A = tpu.iota {dimensions = array<i32: 0>} : vector<8x1024xi32>
    %iota3A_12 = tpu.iota {dimensions = array<i32: 1>} : vector<8x1024xi32>
    %jit3A = arith.constant 128 : i32
    %div3A_13 = vector.broadcast %jit3A : i32 to vector<8x1024xi32>
    %div3A_14 = arith.divsi %iota3A_12, %div3A_13 : vector<8x1024xi32>
    %sign3A = arith.constant 0 : i32
    %sign3A_15 = vector.broadcast %sign3A : i32 to vector<8x1024xi32>
    %sign3A_16 = arith.cmpi sgt, %iota3A_12, %sign3A_15 : vector<8x1024xi32>
    %sign3A_17 = arith.extui %sign3A_16 : vector<8x1024xi1> to vector<8x1024xi32>
    %sign3A_18 = arith.constant 0 : i32
    %sign3A_19 = vector.broadcast %sign3A_18 : i32 to vector<8x1024xi32>
    %sign3A_20 = arith.cmpi slt, %iota3A_12, %sign3A_19 : vector<8x1024xi32>
    %sign3A_21 = arith.extui %sign3A_20 : vector<8x1024xi1> to vector<8x1024xi32>
    %sign3A_22 = arith.subi %sign3A_17, %sign3A_21 : vector<8x1024xi32>
    %sign3A_23 = arith.constant 0 : i32
    %sign3A_24 = arith.cmpi sgt, %jit3A, %sign3A_23 : i32
    %sign3A_25 = arith.extui %sign3A_24 : i1 to i32
    %sign3A_26 = arith.constant 0 : i32
    %sign3A_27 = arith.cmpi slt, %jit3A, %sign3A_26 : i32
    %sign3A_28 = arith.extui %sign3A_27 : i1 to i32
    %sign3A_29 = arith.subi %sign3A_25, %sign3A_28 : i32
    %ne3A = vector.broadcast %sign3A_29 : i32 to vector<8x1024xi32>
    %ne3A_30 = arith.cmpi ne, %sign3A_22, %ne3A : vector<8x1024xi32>
    %rem3A = vector.broadcast %jit3A : i32 to vector<8x1024xi32>
    %rem3A_31 = arith.remsi %iota3A_12, %rem3A : vector<8x1024xi32>
    %ne3A_32 = arith.constant 0 : i32
    %ne3A_33 = vector.broadcast %ne3A_32 : i32 to vector<8x1024xi32>
    %ne3A_34 = arith.cmpi ne, %rem3A_31, %ne3A_33 : vector<8x1024xi32>
    %and3A = arith.andi %ne3A_30, %ne3A_34 : vector<8x1024xi1>
    %sub3A = arith.constant 1 : i32
    %sub3A_35 = vector.broadcast %sub3A : i32 to vector<8x1024xi32>
    %sub3A_36 = arith.subi %div3A_14, %sub3A_35 : vector<8x1024xi32>
    %select_n3A = arith.select %and3A, %sub3A_36, %div3A_14 : vector<8x1024xi1>, vector<8x1024xi32>
    %eq3A = arith.cmpi eq, %select_n3A, %iota3A : vector<8x1024xi32>
    %jit3A_37 = arith.constant 1.000000e+00 : f32
    %jit3A_38 = arith.constant 0.000000e+00 : f32
    %broadcast_in_dim3A = vector.broadcast %jit3A_37 : f32 to vector<8x1024xf32>
    %broadcast_in_dim3A_39 = vector.broadcast %jit3A_38 : f32 to vector<8x1024xf32>
    %select_n3A_40 = arith.select %eq3A, %broadcast_in_dim3A, %broadcast_in_dim3A_39 : vector<8x1024xi1>, vector<8x1024xf32>
    %dot_general3A = arith.constant dense<0.000000e+00> : vector<256x1024xf32>
    %dot_general3A_41 = tpu.matmul %div3A_11, %select_n3A_40, %dot_general3A {dimension_numbers = #tpu.dot_dimension_numbers<[1], [0], [0], [1], [0, 0, 1, 1], [], []>, transpose_lhs_hint = false} : vector<256x8xf32>, vector<8x1024xf32>, vector<256x1024xf32> -> vector<256x1024xf32>
    %mul3A = arith.mulf %get3A_1, %dot_general3A_41 : vector<256x1024xf32>
    %add3A_42 = vector.broadcast %get3A_7 : vector<1x1024xf32> to vector<256x1024xf32>
    %add3A_43 = arith.addf %mul3A, %add3A_42 : vector<256x1024xf32>
    %max3A = arith.constant 0.000000e+00 : f32
    %max3A_44 = vector.broadcast %max3A : f32 to vector<256x1024xf32>
    %max3A_45 = arith.maximumf %add3A_43, %max3A_44 : vector<256x1024xf32>
    %get3A_46 = arith.constant 0 : index
    %get3A_47 = arith.constant 0 : index
    %get3A_48 = vector.load %arg4[%get3A_46, %get3A_47] : memref<1024x1024xf32, #tpu.memory_space<vmem>>, vector<1024x1024xf32>
    %dot_general3A_49 = arith.constant dense<0.000000e+00> : vector<256x1024xf32>
    %dot_general3A_50 = tpu.matmul %max3A_45, %get3A_48, %dot_general3A_49 {dimension_numbers = #tpu.dot_dimension_numbers<[1], [0], [0], [1], [0, 0, 1, 1], [], []>, transpose_lhs_hint = false} : vector<256x1024xf32>, vector<1024x1024xf32>, vector<256x1024xf32> -> vector<256x1024xf32>
    %swap3A = arith.constant 0 : index
    %swap3A_51 = arith.constant 0 : index
    %swap3A_52 = vector.load %arg6[%swap3A, %swap3A_51] : memref<256x1024xf32, #tpu.memory_space<vmem>>, vector<256x1024xf32>
    tpu.vector_store %arg6[%swap3A, %swap3A_51], %dot_general3A_50 {strides = array<i32>} : memref<256x1024xf32, #tpu.memory_space<vmem>>, vector<256x1024xf32>,
    %get3A_53 = arith.constant 0 : index
    %get3A_54 = arith.constant 0 : index
    %get3A_55 = vector.load %arg5[%get3A_53, %get3A_54] : memref<1024x1024xf32, #tpu.memory_space<vmem>>, vector<1024x1024xf32>
    %dot_general3A_56 = arith.constant dense<0.000000e+00> : vector<256x1024xf32>
    %dot_general3A_57 = tpu.matmul %max3A_45, %get3A_55, %dot_general3A_56 {dimension_numbers = #tpu.dot_dimension_numbers<[1], [0], [0], [1], [0, 0, 1, 1], [], []>, transpose_lhs_hint = false} : vector<256x1024xf32>, vector<1024x1024xf32>, vector<256x1024xf32> -> vector<256x1024xf32>
    %swap3A_58 = arith.constant 0 : index
    %swap3A_59 = arith.constant 0 : index
    %swap3A_60 = vector.load %arg7[%swap3A_58, %swap3A_59] : memref<256x1024xf32, #tpu.memory_space<vmem>>, vector<256x1024xf32>
    tpu.vector_store %arg7[%swap3A_58, %swap3A_59], %dot_general3A_57 {strides = array<i32>} : memref<256x1024xf32, #tpu.memory_space<vmem>>, vector<256x1024xf32>,
    return
  }
  func.func @transform_0(%arg0: i32) -> (i32, i32) {
    %c0_i32 = arith.constant 0 : i32
    %c0_i32_0 = arith.constant 0 : i32
    return %arg0, %c0_i32 : i32, i32
  }
  func.func @transform_1(%arg0: i32) -> (i32, i32) {
    %c0_i32 = arith.constant 0 : i32
    %c0_i32_0 = arith.constant 0 : i32
    return %arg0, %c0_i32 : i32, i32
  }
  func.func @transform_2(%arg0: i32) -> (i32, i32) {
    %c0_i32 = arith.constant 0 : i32
    %c0_i32_0 = arith.constant 0 : i32
    %c0_i32_1 = arith.constant 0 : i32
    return %c0_i32, %c0_i32_0 : i32, i32
  }
  func.func @transform_3(%arg0: i32) -> (i32, i32) {
    %c0_i32 = arith.constant 0 : i32
    %c0_i32_0 = arith.constant 0 : i32
    %c0_i32_1 = arith.constant 0 : i32
    return %c0_i32, %c0_i32_0 : i32, i32
  }
  func.func @transform_4(%arg0: i32) -> (i32, i32) {
    %c0_i32 = arith.constant 0 : i32
    %c0_i32_0 = arith.constant 0 : i32
    %c0_i32_1 = arith.constant 0 : i32
    return %c0_i32, %c0_i32_0 : i32, i32
  }
  func.func @transform_5(%arg0: i32) -> (i32, i32) {
    %c0_i32 = arith.constant 0 : i32
    %c0_i32_0 = arith.constant 0 : i32
    return %arg0, %c0_i32 : i32, i32
  }
  func.func @transform_6(%arg0: i32) -> (i32, i32) {
    %c0_i32 = arith.constant 0 : i32
    %c0_i32_0 = arith.constant 0 : i32
    return %arg0, %c0_i32 : i32, i32
  }
}

module attributes {stable_mosaic.version = 14 : i64} {
  func.func @_pool_body(%arg0: i32, %arg1: memref<256x1024xf32, #tpu.memory_space<vmem>>, %arg2: memref<256x16xf32, #tpu.memory_space<vmem>>, %arg3: memref<1x1024xf32, #tpu.memory_space<vmem>>, %arg4: memref<1x1024xf32, #tpu.memory_space<vmem>>) attributes {dimension_semantics = [#tpu.dimension_semantics<arbitrary>], iteration_bounds = array<i64: 40>, scalar_prefetch = 0 : i64, scratch_operands = 0 : i64, tpu.core_type = #tpu.core_type<tc>, window_params = [{transform_indices = @transform_0, window_bounds = array<i64: 256, 1024>}, {transform_indices = @transform_1, window_bounds = array<i64: 256, 16>}, {pipeline_mode = #tpu.pipeline_mode<synchronous>, transform_indices = @transform_2, window_bounds = array<i64: 1, 1024>}, {pipeline_mode = #tpu.pipeline_mode<synchronous>, transform_indices = @transform_3, window_bounds = array<i64: 1, 1024>}]} {
    %get3A = arith.constant 0 : index
    %get3A_0 = arith.constant 0 : index
    %get3A_1 = vector.load %arg1[%get3A, %get3A_0] : memref<256x1024xf32, #tpu.memory_space<vmem>>, vector<256x1024xf32>
    %get3A_2 = arith.constant 0 : index
    %get3A_3 = arith.constant 0 : index
    %get3A_4 = vector.load %arg2[%get3A_2, %get3A_3] : memref<256x16xf32, #tpu.memory_space<vmem>>, vector<256x16xf32>
    %get3A_5 = arith.constant 0 : index
    %get3A_6 = arith.constant 0 : index
    %get3A_7 = vector.load %arg3[%get3A_5, %get3A_6] : memref<1x1024xf32, #tpu.memory_space<vmem>>, vector<1x1024xf32>
    %slice3A = vector.extract_strided_slice %get3A_4 {offsets = [0, 0], sizes = [256, 8], strides = [1, 1]} : vector<256x16xf32> to vector<256x8xf32>
    %add3A = arith.constant 1.000000e-16 : f32
    %add3A_8 = vector.broadcast %add3A : f32 to vector<256x8xf32>
    %add3A_9 = arith.addf %slice3A, %add3A_8 : vector<256x8xf32>
    %div3A = arith.constant 1.000000e+00 : f32
    %div3A_10 = vector.broadcast %div3A : f32 to vector<256x8xf32>
    %div3A_11 = arith.divf %div3A_10, %add3A_9 : vector<256x8xf32>
    %iota3A = tpu.iota {dimensions = array<i32: 0>} : vector<8x1024xi32>
    %iota3A_12 = tpu.iota {dimensions = array<i32: 1>} : vector<8x1024xi32>
    %jit3A = arith.constant 128 : i32
    %div3A_13 = vector.broadcast %jit3A : i32 to vector<8x1024xi32>
    %div3A_14 = arith.divsi %iota3A_12, %div3A_13 : vector<8x1024xi32>
    %sign3A = arith.constant 0 : i32
    %sign3A_15 = vector.broadcast %sign3A : i32 to vector<8x1024xi32>
    %sign3A_16 = arith.cmpi sgt, %iota3A_12, %sign3A_15 : vector<8x1024xi32>
    %sign3A_17 = arith.extui %sign3A_16 : vector<8x1024xi1> to vector<8x1024xi32>
    %sign3A_18 = arith.constant 0 : i32
    %sign3A_19 = vector.broadcast %sign3A_18 : i32 to vector<8x1024xi32>
    %sign3A_20 = arith.cmpi slt, %iota3A_12, %sign3A_19 : vector<8x1024xi32>
    %sign3A_21 = arith.extui %sign3A_20 : vector<8x1024xi1> to vector<8x1024xi32>
    %sign3A_22 = arith.subi %sign3A_17, %sign3A_21 : vector<8x1024xi32>
    %sign3A_23 = arith.constant 0 : i32
    %sign3A_24 = arith.cmpi sgt, %jit3A, %sign3A_23 : i32
    %sign3A_25 = arith.extui %sign3A_24 : i1 to i32
    %sign3A_26 = arith.constant 0 : i32
    %sign3A_27 = arith.cmpi slt, %jit3A, %sign3A_26 : i32
    %sign3A_28 = arith.extui %sign3A_27 : i1 to i32
    %sign3A_29 = arith.subi %sign3A_25, %sign3A_28 : i32
    %ne3A = vector.broadcast %sign3A_29 : i32 to vector<8x1024xi32>
    %ne3A_30 = arith.cmpi ne, %sign3A_22, %ne3A : vector<8x1024xi32>
    %rem3A = vector.broadcast %jit3A : i32 to vector<8x1024xi32>
    %rem3A_31 = arith.remsi %iota3A_12, %rem3A : vector<8x1024xi32>
    %ne3A_32 = arith.constant 0 : i32
    %ne3A_33 = vector.broadcast %ne3A_32 : i32 to vector<8x1024xi32>
    %ne3A_34 = arith.cmpi ne, %rem3A_31, %ne3A_33 : vector<8x1024xi32>
    %and3A = arith.andi %ne3A_30, %ne3A_34 : vector<8x1024xi1>
    %sub3A = arith.constant 1 : i32
    %sub3A_35 = vector.broadcast %sub3A : i32 to vector<8x1024xi32>
    %sub3A_36 = arith.subi %div3A_14, %sub3A_35 : vector<8x1024xi32>
    %select_n3A = arith.select %and3A, %sub3A_36, %div3A_14 : vector<8x1024xi1>, vector<8x1024xi32>
    %eq3A = arith.cmpi eq, %select_n3A, %iota3A : vector<8x1024xi32>
    %jit3A_37 = arith.constant 1.000000e+00 : f32
    %jit3A_38 = arith.constant 0.000000e+00 : f32
    %broadcast_in_dim3A = vector.broadcast %jit3A_37 : f32 to vector<8x1024xf32>
    %broadcast_in_dim3A_39 = vector.broadcast %jit3A_38 : f32 to vector<8x1024xf32>
    %select_n3A_40 = arith.select %eq3A, %broadcast_in_dim3A, %broadcast_in_dim3A_39 : vector<8x1024xi1>, vector<8x1024xf32>
    %dot_general3A = arith.constant dense<0.000000e+00> : vector<256x1024xf32>
    %dot_general3A_41 = tpu.matmul %div3A_11, %select_n3A_40, %dot_general3A {dimension_numbers = #tpu.dot_dimension_numbers<[1], [0], [0], [1], [0, 0, 1, 1], [], []>, transpose_lhs_hint = false} : vector<256x8xf32>, vector<8x1024xf32>, vector<256x1024xf32> -> vector<256x1024xf32>
    %mul3A = arith.mulf %get3A_1, %dot_general3A_41 : vector<256x1024xf32>
    %add3A_42 = vector.broadcast %get3A_7 : vector<1x1024xf32> to vector<256x1024xf32>
    %add3A_43 = arith.addf %mul3A, %add3A_42 : vector<256x1024xf32>
    %max3A = arith.constant 0.000000e+00 : f32
    %max3A_44 = vector.broadcast %max3A : f32 to vector<256x1024xf32>
    %max3A_45 = arith.maximumf %add3A_43, %max3A_44 : vector<256x1024xf32>
    %mul3A_46 = arith.constant 256 : i32
    %mul3A_47 = arith.muli %arg0, %mul3A_46 : i32
    %iota3A_48 = tpu.iota {dimensions = array<i32: 0>} : vector<256x1024xi32>
    %add3A_49 = vector.broadcast %mul3A_47 : i32 to vector<256x1024xi32>
    %add3A_50 = arith.addi %add3A_49, %iota3A_48 : vector<256x1024xi32>
    %lt3A = arith.constant 10000 : i32
    %lt3A_51 = vector.broadcast %lt3A : i32 to vector<256x1024xi32>
    %lt3A_52 = arith.cmpi slt, %add3A_50, %lt3A_51 : vector<256x1024xi32>
    %jit3A_53 = arith.constant 0.000000e+00 : f32
    %broadcast_in_dim3A_54 = vector.broadcast %jit3A_53 : f32 to vector<256x1024xf32>
    %select_n3A_55 = arith.select %lt3A_52, %max3A_45, %broadcast_in_dim3A_54 : vector<256x1024xi1>, vector<256x1024xf32>
    %reduce_sum3A = arith.constant dense<0.000000e+00> : vector<1024xf32>
    %reduce_sum3A_56 = vector.multi_reduction <add>, %select_n3A_55, %reduce_sum3A [0] : vector<256x1024xf32> to vector<1024xf32>
    %broadcast_in_dim3A_57 = vector.shape_cast %reduce_sum3A_56 : vector<1024xf32> to vector<1x1024xf32>
    %eq3A_58 = arith.constant 0 : i32
    %eq3A_59 = arith.cmpi eq, %arg0, %eq3A_58 : i32
    %convert_element_type3A = arith.extui %eq3A_59 : i1 to i32
    %cond3A = arith.constant 0 : i32
    %cond3A_60 = arith.cmpi ne, %convert_element_type3A, %cond3A : i32
    scf.if %cond3A_60 {
      %broadcast_in_dim3A_67 = arith.constant 0.000000e+00 : f32
      %broadcast_in_dim3A_68 = vector.broadcast %broadcast_in_dim3A_67 : f32 to vector<1x1024xf32>
      %swap3A_69 = arith.constant 0 : index
      %swap3A_70 = arith.constant 0 : index
      %swap3A_71 = vector.load %arg4[%swap3A_69, %swap3A_70] : memref<1x1024xf32, #tpu.memory_space<vmem>>, vector<1x1024xf32>
      tpu.vector_store %arg4[%swap3A_69, %swap3A_70], %broadcast_in_dim3A_68 {strides = array<i32>} : memref<1x1024xf32, #tpu.memory_space<vmem>>, vector<1x1024xf32>,
    } else {
    }
    %get3A_61 = arith.constant 0 : index
    %get3A_62 = arith.constant 0 : index
    %get3A_63 = vector.load %arg4[%get3A_61, %get3A_62] : memref<1x1024xf32, #tpu.memory_space<vmem>>, vector<1x1024xf32>
    %add3A_64 = arith.addf %get3A_63, %broadcast_in_dim3A_57 : vector<1x1024xf32>
    %swap3A = arith.constant 0 : index
    %swap3A_65 = arith.constant 0 : index
    %swap3A_66 = vector.load %arg4[%swap3A, %swap3A_65] : memref<1x1024xf32, #tpu.memory_space<vmem>>, vector<1x1024xf32>
    tpu.vector_store %arg4[%swap3A, %swap3A_65], %add3A_64 {strides = array<i32>} : memref<1x1024xf32, #tpu.memory_space<vmem>>, vector<1x1024xf32>,
    return
  }
  func.func @transform_0(%arg0: i32) -> (i32, i32) {
    %c0_i32 = arith.constant 0 : i32
    %c0_i32_0 = arith.constant 0 : i32
    return %arg0, %c0_i32 : i32, i32
  }
  func.func @transform_1(%arg0: i32) -> (i32, i32) {
    %c0_i32 = arith.constant 0 : i32
    %c0_i32_0 = arith.constant 0 : i32
    return %arg0, %c0_i32 : i32, i32
  }
  func.func @transform_2(%arg0: i32) -> (i32, i32) {
    %c0_i32 = arith.constant 0 : i32
    %c0_i32_0 = arith.constant 0 : i32
    %c0_i32_1 = arith.constant 0 : i32
    return %c0_i32, %c0_i32_0 : i32, i32
  }
  func.func @transform_3(%arg0: i32) -> (i32, i32) {
    %c0_i32 = arith.constant 0 : i32
    %c0_i32_0 = arith.constant 0 : i32
    %c0_i32_1 = arith.constant 0 : i32
    return %c0_i32, %c0_i32_0 : i32, i32
  }
}

module attributes {stable_mosaic.version = 14 : i64} {
  func.func @_head_body(%arg0: memref<1x1024xf32, #tpu.memory_space<vmem>>, %arg1: memref<1024x128xf32, #tpu.memory_space<vmem>>, %arg2: memref<1x128xf32, #tpu.memory_space<vmem>>, %arg3: memref<128x1xf32, #tpu.memory_space<vmem>>, %arg4: memref<1x1xf32, #tpu.memory_space<vmem>>, %arg5: memref<1x1xf32, #tpu.memory_space<vmem>>) attributes {dimension_semantics = [], scalar_prefetch = 0 : i64, scratch_operands = 0 : i64, tpu.core_type = #tpu.core_type<tc>} {
    %get3A = arith.constant 0 : index
    %get3A_0 = arith.constant 0 : index
    %get3A_1 = vector.load %arg0[%get3A, %get3A_0] : memref<1x1024xf32, #tpu.memory_space<vmem>>, vector<1x1024xf32>
    %div3A = arith.constant 1.000000e+04 : f32
    %div3A_2 = vector.broadcast %div3A : f32 to vector<1x1024xf32>
    %div3A_3 = arith.divf %get3A_1, %div3A_2 : vector<1x1024xf32>
    %get3A_4 = arith.constant 0 : index
    %get3A_5 = arith.constant 0 : index
    %get3A_6 = vector.load %arg1[%get3A_4, %get3A_5] : memref<1024x128xf32, #tpu.memory_space<vmem>>, vector<1024x128xf32>
    %dot_general3A = arith.constant dense<0.000000e+00> : vector<1x128xf32>
    %dot_general3A_7 = tpu.matmul %div3A_3, %get3A_6, %dot_general3A {dimension_numbers = #tpu.dot_dimension_numbers<[1], [0], [0], [1], [0, 0, 1, 1], [], []>, transpose_lhs_hint = false} : vector<1x1024xf32>, vector<1024x128xf32>, vector<1x128xf32> -> vector<1x128xf32>
    %get3A_8 = arith.constant 0 : index
    %get3A_9 = arith.constant 0 : index
    %get3A_10 = vector.load %arg2[%get3A_8, %get3A_9] : memref<1x128xf32, #tpu.memory_space<vmem>>, vector<1x128xf32>
    %add3A = arith.addf %dot_general3A_7, %get3A_10 : vector<1x128xf32>
    %max3A = arith.constant 0.000000e+00 : f32
    %max3A_11 = vector.broadcast %max3A : f32 to vector<1x128xf32>
    %max3A_12 = arith.maximumf %add3A, %max3A_11 : vector<1x128xf32>
    %get3A_13 = arith.constant 0 : index
    %get3A_14 = arith.constant 0 : index
    %get3A_15 = vector.load %arg3[%get3A_13, %get3A_14] : memref<128x1xf32, #tpu.memory_space<vmem>>, vector<128x1xf32>
    %dot_general3A_16 = arith.constant dense<0.000000e+00> : vector<1x1xf32>
    %dot_general3A_17 = tpu.matmul %max3A_12, %get3A_15, %dot_general3A_16 {dimension_numbers = #tpu.dot_dimension_numbers<[1], [0], [0], [1], [0, 0, 1, 1], [], []>, transpose_lhs_hint = false} : vector<1x128xf32>, vector<128x1xf32>, vector<1x1xf32> -> vector<1x1xf32>
    %get3A_18 = arith.constant 0 : index
    %get3A_19 = arith.constant 0 : index
    %get3A_20 = vector.load %arg4[%get3A_18, %get3A_19] : memref<1x1xf32, #tpu.memory_space<vmem>>, vector<1x1xf32>
    %add3A_21 = arith.addf %dot_general3A_17, %get3A_20 : vector<1x1xf32>
    %swap3A = arith.constant 0 : index
    %swap3A_22 = arith.constant 0 : index
    %swap3A_23 = vector.load %arg5[%swap3A, %swap3A_22] : memref<1x1xf32, #tpu.memory_space<vmem>>, vector<1x1xf32>
    tpu.vector_store %arg5[%swap3A, %swap3A_22], %add3A_21 {strides = array<i32>} : memref<1x1xf32, #tpu.memory_space<vmem>>, vector<1x1xf32>,
    return
  }
}

</mosaic_0001>

<sc_bundles>
// kernel: gather_offload_async_start
scs
__scs_entry_jumppad:
0x0: {  	(pc) =	sbr.rel $0x88, $3  }
0x1: {  	(tag) =	ssettag $0x0;
	lr =	simm.s32 $0x1  }
0x2: {  	[smem:$0x3F90] =	sst lr;
	_ =	strace $0xD0000000  }
0x3: {  	_ = 	snop  }
0x4: {  	_ = 	snop  }
0x5: {  	_ = 	snop  }
0x6: {  	_ = 	snop  }
0x7: {  	_ = 	snop  }
__scs_overlays_trampoline_lowered:
0x8: {  	[smem:$0x3F9F] =	sst s0  }
0x9: {  	[smem:$0x3FA0] =	sst s1  }
0xa: {  	[smem:$0x3FA1] =	sst s2  }
0xb: {  	[smem:$0x3FA2] =	sst s3  }
0xc: {  	[smem:$0x3FA3] =	sst s4  }
0xd: {  	[smem:$0x3FA4] =	sst s5  }
0xe: {  	[smem:$0x3FA5] =	sst s6  }
0xf: {  	[smem:$0x3FA6] =	sst s7  }
0x10: {  	[smem:$0x3FA7] =	sst s8  }
0x11: {  	[smem:$0x3FA8] =	sst s9;
	s0 =	simm.s32 @!p0 $0x0  }
0x12: {  	s1 =	sld [smem:$0x3F8E];
	s0 =	simm.s32 @p0 $0x1  }
0x13: {  	[smem:$0x3FA9] =	sst s0;
	s0 =	simm.s32 @!p1 $0x0  }
0x14: {  	s2 =	sld [smem:$0x3F8D];
	s0 =	simm.s32 @p1 $0x1  }
0x15: {  	[smem:$0x3FAA] =	sst s0;
	s0 =	simm.s32 @!p2 $0x0  }
0x16: {  	s3 =	sld [smem:$0x3FDB];
	s0 =	simm.s32 @p2 $0x1  }
0x17: {  	s4 =	simm.s32 $0x1BF5;
	[smem:$0x3FAC] =	sst s0  }
0x18: {  	s0 =	sld [smem:$0x3F8F];
	_ =	swait.ge [sflag:s4], $0x0  }
0x19: {  	s7 =	sld [smem:$0x3F90]  }
0x1a: {  	s8 =	sadd.s32 $0xFFFFE003, lr  }
0x1b: {  	s9 =	sadd.s32 $0xFFFFFEF7, lr;
	s5 =	simm.s32 $0xFFFFFFFF;
	p2 =	slt.u32 s8, $0xFFFFF086  }
0x1c: {  	p1 =	slt.u32 s9, $0xF7A;
	s5 =	simm.s32 @!p2 $0x0  }
0x1d: {  	s5 =	simm.s32 @p1 $0x1;
	p0 =	seq.s32 s7, s2  }
0x1e: {  	s7 =	smul.u32 @!p0 $0xF7A, s2;
	p2 =	seq.s32 @!p0 s5, $0x0  }
0x1f: {  	s9 =	smul.u32 $0xF7A, s1;
	s8 =	simm.s32 @!p0 $0x1BF5;
	p2 =	por !p2, p0  }
0x20: {  	[sflag:s8] =	ssyncset.s32 @!p0 $0xFFFFF086;
	s6 =	sadd.s32 @!p0 s3, s7;
	s7 =	simm.s32 @!p0 $0x108  }
0x21: {  	s3 =	sadd.s32 s3, s9;
	s6 =	sadd.s32 @!p0 $0x88, s6;
	s7 =	simm.s32 @p2 $0x1082  }
0x22: {  	[simem:s7], [sflag:s8] =	dma.local @!p0 [hbm:s6], $0xF7A  }
0x23: {  	s9 =	sor.u32 $0xD0000000, s2;
	s6 =	simm.s32 $0x108;
	_ =	swait.ge @!p0 [sflag:s8], $0x0  }
0x24: {  	s3 =	sadd.s32 $0x88, s3;
	s6 =	simm.s32 @!p1 $0x1082;
	[sflag:s4] =	ssyncset.s32 $0xFFFFF086  }
0x25: {  	[simem:s6], [sflag:s4] =	dma.local [hbm:s3], $0xF7A  }
0x26: {  	[smem:$0x3F90] =	sst s1;
	(tag) =	ssettag s2;
	_ =	strace s9  }
0x27: {  	s1 =	sld [smem:$0x3FA0]  }
0x28: {  	s2 =	sld [smem:$0x3FA1]  }
0x29: {  	s4 =	sld [smem:$0x3FA3]  }
0x2a: {  	p0 =	seq.s32 s5, $0x0;
	s5 =	sld [smem:$0x3FA4]  }
0x2b: {  	s6 =	sld [smem:$0x3FA5]  }
0x2c: {  	s7 =	sld [smem:$0x3FA6]  }
0x2d: {  	s3 =	simm.s32 $0x108;
	s8 =	sld [smem:$0x3FA7]  }
0x2e: {  	s3 =	simm.s32 @!p0 $0x1082;
	s9 =	sld [smem:$0x3FA8]  }
0x2f: {  	lr =	sadd.s32 s0, s3;
	s0 =	sld [smem:$0x3F9F]  }
0x30: {  	s3 =	sld [smem:$0x3FA2]  }
0x31: {  	[smem:$0x3FAB] =	sst s10  }
0x32: {  	s10 =	sld [smem:$0x3FA9];
	_ =	sdelay $0x3  }
0x33: {  	p0 =	seq.s32 s10, $0x1;
	s10 =	sld [smem:$0x3FAB];
	_ =	sdelay $0x3  }
0x34: {  	[smem:$0x3FAB] =	sst s10  }
0x35: {  	s10 =	sld [smem:$0x3FAA];
	_ =	sdelay $0x3  }
0x36: {  	p1 =	seq.s32 s10, $0x1;
	s10 =	sld [smem:$0x3FAB];
	_ =	sdelay $0x3  }
0x37: {  	[smem:$0x3FAB] =	sst s10  }
0x38: {  	s10 =	sld [smem:$0x3FAC]  }
0x39: {  	_ = 	snop;
	(pc) =	sbr.ind lr, $3  }
0x3a: {  	_ = 	snop  }
0x3b: {  	_ = 	snop  }
0x3c: {  	p2 =	seq.s32 s10, $0x1;
	s10 =	sld [smem:$0x3FAB]  }
0x3d: {  	_ =	shalt  }
0x3e: {  	_ =	shalt  }
0x3f: {  	_ =	shalt  }
0x40: {  	_ =	shalt  }
0x41: {  	_ =	shalt  }
0x42: {  	_ =	shalt  }
0x43: {  	_ =	shalt  }
0x44: {  	_ =	shalt  }
0x45: {  	_ =	shalt  }
0x46: {  	_ =	shalt  }
0x47: {  	_ =	shalt  }
0x48: {  	_ =	shalt  }
0x49: {  	_ =	shalt  }
0x4a: {  	_ =	shalt  }
0x4b: {  	_ =	shalt  }
0x4c: {  	_ =	shalt  }
0x4d: {  	_ =	shalt  }
0x4e: {  	_ =	shalt  }
0x4f: {  	_ =	shalt  }
0x50: {  	_ =	shalt  }
0x51: {  	_ =	shalt  }
0x52: {  	_ =	shalt  }
0x53: {  	_ =	shalt  }
0x54: {  	_ =	shalt  }
0x55: {  	_ =	shalt  }
0x56: {  	_ =	shalt  }
0x57: {  	_ =	shalt  }
0x58: {  	_ =	shalt  }
0x59: {  	_ =	shalt  }
0x5a: {  	_ =	shalt  }
0x5b: {  	_ =	shalt  }
0x5c: {  	_ =	shalt  }
0x5d: {  	_ =	shalt  }
0x5e: {  	_ =	shalt  }
0x5f: {  	_ =	shalt  }
0x60: {  	_ =	shalt  }
0x61: {  	_ =	shalt  }
0x62: {  	_ =	shalt  }
0x63: {  	_ =	shalt  }
0x64: {  	_ =	shalt  }
0x65: {  	_ =	shalt  }
0x66: {  	_ =	shalt  }
0x67: {  	_ =	shalt  }
0x68: {  	_ =	shalt  }
0x69: {  	_ =	shalt  }
0x6a: {  	_ =	shalt  }
0x6b: {  	_ =	shalt  }
0x6c: {  	_ =	shalt  }
0x6d: {  	_ =	shalt  }
0x6e: {  	_ =	shalt  }
0x6f: {  	_ =	shalt  }
0x70: {  	_ =	shalt  }
0x71: {  	_ =	shalt  }
0x72: {  	_ =	shalt  }
0x73: {  	_ =	shalt  }
0x74: {  	_ =	shalt  }
0x75: {  	_ =	shalt  }
0x76: {  	_ =	shalt  }
0x77: {  	_ =	shalt  }
0x78: {  	_ =	shalt  }
0x79: {  	_ =	shalt  }
0x7a: {  	_ =	shalt  }
0x7b: {  	_ =	shalt  }
0x7c: {  	_ =	shalt  }
0x7d: {  	_ =	shalt  }
0x7e: {  	_ =	shalt  }
0x7f: {  	_ =	shalt  }
0x80: {  	_ =	shalt  }
0x81: {  	_ =	shalt  }
0x82: {  	_ =	shalt  }
0x83: {  	_ =	shalt  }
0x84: {  	_ =	shalt  }
0x85: {  	_ =	shalt  }
0x86: {  	_ =	shalt  }
0x87: {  	_ =	shalt  }
.Lfunc_end0:
.L_simem_size_0:
called_computation_lowered:
.L_overlay_start_0:
0x88: {  	s2 =	sld [smem:$0x3FD9]  }
0x89: {  	s3 =	sld [smem:$0x3FFE];
	_ =	sdelay $0x1  }
0x8a: {  	s1 =	srdreg.scid  }
0x8b: {  	s0 =	sand.u32 $0x1, s1  }
0x8c: {  	s17 =	sshll.u32 s0, $0xA;
	s2 =	sadd.s32 s3, s2  }
0x8d: {  	s2 =	sadd.s32 s2, s17  }
0x8e: {  	[smem:$0x3FB7] =	sst s2  }
0x8f: {  	_ = 	snop  }
0x90: {  	s2 =	sld [smem:$0x3FC7];
	(tm) =	ssettm $0x1  }
0x91: {  	s18 =	sld [smem:$0x3FFB];
	_ =	sdelay $0x3  }
0x92: {  	_ =	strace s18  }
0x93: {  	s3 =	sld [smem:$0x3FFC];
	_ =	sdelay $0x3  }
0x94: {  	_ =	strace s3  }
0x95: {  	s3 =	sld [smem:$0x3FFD];
	_ =	sdelay $0x3  }
0x96: {  	_ =	strace s3  }
0x97: {  	_ =	strace $0x8FFFFFFF  }
0x98: {  	s19 =	sld [smem:$0x3FDB];
	_ =	sdelay $0x1  }
0x99: {  	s4 =	simm.s32 $_scs_section_size  }
0x9a: {  	s5 =	simm.s32 $_size__tile_overlayer_lowered;
	s6 =	simm.s32 $_tile_overlayer_lowered  }
0x9b: {  	s22 =	simm.s32 $0x1BFF;
	s21 =	sshll.u32 s6, $0x1;
	s3 =	sadd.s32 s4, s19  }
0x9c: {  	s7 =	simm.s32 $0x0;
	s20 =	sshll.u32 s5, $0x1;
	s5 =	sadd.s32 s21, s3  }
0x9d: {  	[timem:s7], [sflag:s22] =	dma.local [hbm:s5], s20  }
0x9e: {  	_ =	swait.ge [sflag:s22], s20  }
0x9f: {  	s4 =	ssub.s32 $0x0, s20;
	[sflag:s22] =	ssyncset.done $0x0  }
0xa0: {  	[sflag:s22] =	ssyncadd.s32 s4;
	_ =	sdelay $0x1  }
0xa1: {  	s23 =	simm.s32 $0x1B8B  }
0xa2: {  	_ =	swait.ge [sflag:s23], $0x1  }
0xa3: {  	[sflag:s23] =	ssyncset.done $0x0  }
0xa4: {  	s25 =	simm.s32 $0x1B8E;
	s24 =	sld [smem:$0x3FFE];
	[sflag:s23] =	ssyncadd.s32 $0xFFFFFFFF  }
0xa5: {  	s26 =	simm.s32 $execute0_lowered;
	[smem:$0x3FD2] =	sst s25  }
0xa6: {  	s5 =	sshll.u32 s26, $0x1;
	_ =	strace $0x80000046;
	[dreg:$0x1] =	wrdreg $0xFFFFFFFF  }
0xa7: {  	s28 =	simm.s32 $_size_execute0_lowered;
	s3 =	sadd.s32 s3, s5;
	[dreg:$0x0] =	wrdreg $0x0  }
0xa8: {  	s5 =	sshll.u32 s28, $0x1;
	[dreg:$0x2] =	wrdreg s3  }
0xa9: {  	[dreg:$0x3] =	wrdreg s5  }
0xaa: {  	[dreg:$0x4] =	wrdreg $0xC0  }
0xab: {  	_ =	task [dreg:s7], $0x5FFFF  }
0xac: {  	[dreg:$0x1] =	wrdreg $0xFFFFFFFF  }
0xad: {  	[dreg:$0x0] =	wrdreg $0x60  }
0xae: {  	[dreg:$0x2] =	wrdreg s2  }
0xaf: {  	[dreg:$0x3] =	wrdreg s24  }
0xb0: {  	[dreg:$0x4] =	wrdreg $0x9  }
0xb1: {  	_ =	task.clear_ibuf [dreg:s7], $0x5FFFF;
	_ =	strace $0x90000046  }
0xb2: {  	s29 =	simm.s32 $0x9;
	_ =	strace $0x80000048  }
0xb3: {  	_ =	swait.ge [sflag:s29], $0x1  }
0xb4: {  	[sflag:s29] =	ssyncadd.s32 $0xFFFFFFFF  }
0xb5: {  	_ =	strace $0x90000048  }
0xb6: {  	_ =	sfence  }
0xb7: {  	s30 =	sld [smem:$0x0];
	_ =	sdelay $0x2  }
0xb8: {  	s31 =	sshll.u32 s1, $0xD;
	s1 =	sshrl.u32 s1, $0x2  }
0xb9: {  	s3 =	sand.u32 $0x4000, s31;
	s1 =	sadd.s32 s1, s30  }
0xba: {  	s0 =	sor.u32 s3, s0;
	s1 =	sshll.u32 s1, $0x11  }
0xbb: {  	s0 =	sor.u32 s1, s0  }
0xbc: {  	s0 =	sadd.s32 $0x8F2B, s0  }
0xbd: {  	[sflag:s0] =	ssyncadd.remote.s32 $0x1  }
0xbe: {  	_ =	sfence.sel $0xFFFF  }
0xbf: {  	[dreg:$0x0] =	wrdreg $0xFFFFFFFF;
	(pc) =	sbr.abs _section_cstart, $3  }
0xc0: {  	[dreg:$0x1] =	wrdreg $0xFFFFFFFF  }
0xc1: {  	_ =	task.clear_ibuf [dreg:s7], $0x2FFFF;
	_ =	strace $0x9FFFFFFF  }
0xc2: {  	(tm) =	ssettm $0x7FFFFFFF  }
0xc3: {  	_ =	shalt  }
tec
execute0_lowered:
.L_overlay_start_1:
0x0: {  	(tag) =	ssettag $0x1  }
0x1: {  	s0 =	stileid.u32;
	s1 =	srdreg.scid  }
0x2: {  	s1 =	sand.u32 $0x1, s1;
	s2 =	sshll.u32 s0, $0x1  }
0x3: {  	s1 =	sor.u32 s2, s1  }
0x4: {  	s2 =	smul.u32 $0xC80, s1;
	_ =	sdelay $0x1  }
0x5: {  	s3 =	rddreg [dreg:$0x0];
	s7 =	ssub.s32 $0x4E200, s2  }
0x6: {  	s9 =	rddreg [dreg:$0x1];
	s4 =	smulhi.u32 $0xA3D71, s7  }
0x7: {  	s6 =	simm.s32 $0x2;
	s11 =	simm.s32 $0x3;
	s14 =	simm.s32 $0x0  }
0x8: {  	s13 =	simm.s32 $0x0;
	s5 =	sadd.s32 $0x1DE00, s9;
	s8 =	sshrl.u32 s4, $0x4  }
0x9: {  	s1 =	rddreg [dreg:$0x2];
	_ =	strace $0x80000047;
	s10 =	smul.u32 $0x19000, s8  }
.Ltmp0:
0xa: {  	s12 =	smov.u32 s2;
	s4 =	simm.s32 $0x1;
	(pc) =	sbr.rel .LBB2_1-.Ltmp0, $4  }
0xb: {  	[sflag:s4] =	ssyncpa.u1 $0x0;
	p0 =	sne.s32 s7, s10;
	s10 =	simm.s32 $0x1  }
0xc: {  	[sflag:s6] =	ssyncpa.u1 $0x0;
	s7 =	sadd.s32 $0x31C00, s9;
	s10 =	simm.s32 @!p0 $0x0  }
0xd: {  	[sflag:s11] =	ssyncpa.u1 $0x0;
	s9 =	sadd.s32 $0x7FE00, s9;
	s8 =	sadd.s32 s10, s8  }
0xe: {  	vm0 =	vmmov $0xffff;
	v0 =	vlaneseq.u32;
	s11 =	simm.s32 $0x0;
	p0 =	por $0x0, $0x0;
	s10 =	sadd.s32 $0x1, s8  }
.LBB2_4:
0xf: {  	_ =	sdelay $0x1  }
0x10: {  	(ifvalue) =	ssetifvalue $0x7FFFFFFF  }
0x11: {  	s17 =	sshll.u32 s14, $0x3;
	(ifvalue) =	ssetifvalue $0x7FFFFFFF  }
0x12: {  	[tilespmem:s23], [sflag:$0x1] =	stream.indirect_vreg.gather [hbm4b:s3+s11], $0x1, v1, vm0, $0x4038;
	[tilespmem:$0x1A900] =	vst v63  }
0x13: {  	s30 =	sand.u32 $0x78, s14;
	s17 =	sand.u32 $0xFFFFFC00, s17  }
0x14: {  	_ =	swait.ge [sflag:s4], $0xC800;
	s14 =	sor.u32 s30, s17  }
0x15: {  	[sflag:s4] =	ssyncset.done $0x0;
	s14 =	sshrl.u32 s14, $0x3  }
0x16: {  	[sflag:s4] =	ssyncadd.s32 $0xFFFF3800;
	s31 =	sadd.s32 s7, s14  }
0x17: {  	[hbm:s31] =	stream.linear.scatter [tilespmem:s16], [sflag:$0x3], $0x6400, $0x38;
	[tilespmem:$0x1A900] =	vst v63  }
0x18: {  	s15 =	sadd.s32 $0x7D00, s15;
	s14 =	sadd.s32 s14, s9  }
0x19: {  	[hbm:s14] =	stream.linear.scatter [tilespmem:s15], [sflag:$0x3], $0x6400, $0x38;
	[tilespmem:$0x1A900] =	vst v63  }
.LBB2_5:
0x1a: {  	s16 =	sadd.s32 $0x19000, s12  }
0x1b: {  	p2 =	sgt.s32 s16, $0x4E1FF  }
0x1c: {  	s16 =	smov.u32 @p2 s2;
	p2 =	sne.s32 s13, s10  }
.Ltmp1:
0x1d: {  	p1 =	slt.u32 s13, $0x2;
	(pc) =	sbr.rel @!p2 .LBB2_6-.Ltmp1, $4  }
0x1e: {  	s15 =	simm.s32 @!p1 $0x3  }
0x1f: {  	s17 =	sadd.s32 $0x1, s13;
	_ =	swait.ge @!p1 [sflag:s15], $0xC800  }
0x20: {  	s14 =	smov.u32 s12;
	p0 =	por !p0, !p0;
	[sflag:s15] =	ssyncset.done @!p1 $0x0  }
0x21: {  	s13 =	smov.u32 s17;
	s12 =	smov.u32 s16;
	[sflag:s15] =	ssyncadd.s32 @!p1 $0xFFFF3800  }
.LBB2_1:
0x22: {  	p1 =	sge.u32 s13, s8  }
0x23: {  	s15 =	sxor.u32 @!p1 $0xFFFFFFFF, s13  }
0x24: {  	s15 =	sand.u32 @!p1 $0x1, s15  }
0x25: {  	s15 =	smul.u32 @!p1 $0x3200, s15  }
0x26: {  	s31 =	sadd.s32 $0xFFFFFFFF, s13;
	s16 =	sshrl.u32 @!p1 s12, $0x3  }
0x27: {  	s17 =	sand.u32 @!p1 $0x7, s12;
	s16 =	sadd.s32 @!p1 s5, s16;
	s15 =	sshrl.u32 @!p1 s15, $0x2  }
0x28: {  	[tilespmem:s15], [sflag:$0x2] =	stream.linear.gather @!p1 [hbm4b:s16+s17], $0xC80, $0x38;
	[tilespmem:$0x1A900] =	vst v63  }
0x29: {  	p1 =	sge.u32 s31, s8  }
.Ltmp2:
0x2a: {  	_ = 	snop;
	(pc) =	sbr.rel @p1 .LBB2_5-.Ltmp2, $1  }
0x2b: {  	_ =	sdelay $0x3  }
0x2c: {  	s15 =	simm.s32 $0x1  }
0x2d: {  	s15 =	simm.s32 @!p0 $0x0  }
0x2e: {  	_ =	swait.ge [sflag:s6], $0xC80;
	s15 =	smul.u32 $0x3200, s15  }
0x2f: {  	[sflag:s6] =	ssyncset.done $0x0  }
0x30: {  	[sflag:s6] =	ssyncadd.s32 $0xFFFFF380;
	s19 =	sshrl.u32 s15, $0x2  }
0x31: {  	v1 =	vld.msk [tilespmem:s19+$0x0 ss:$0x1], $0xffff;
	_ =	sdelay $0x2  }
0x32: {  	s20 =	ssub.s32 $0x4E200, s14  }
0x33: {  	p1 =	slt.s32 s20, $0xC80  }
0x34: {  	s20 =	simm.s32 @!p1 $0xC80;
	vm1 =	vgt.s32 v1, $0x0  }
0x35: {  	p1 =	sgt.s32 s20, $0x0;
	s15 =	smov.u32 s20;
	v1 =	vnsel vm1, $0x0, v1  }
0x36: {  	s15 =	simm.s32 @!p1 $0x0;
	v1 =	vmin.u32 v1, $0x4E1FF  }
0x37: {  	s15 =	smin.u32 s15, $0x10;
	v2 =	vshll.u32 v1, $0x3  }
0x38: {  	s16 =	sand.u32 $0x1, s13;
	v3 =	vmov s15;
	v1 =	vand.u32 $0x7F, v1;
	v2 =	vand.u32 $0x3FFC00, v2  }
0x39: {  	s26 =	smul.u32 $0x32000, s16;
	vm1 =	vgt.u32 v3, v0;
	v1 =	vor.u32 v1, v2  }
0x3a: {  	v2 =	vnsel vm1, $0x7FFFFFFF, v1  }
0x3b: {  	s18 =	simm.s32 $0x0;
	s15 =	sshrl.u32 s26, $0x2  }
0x3c: {  	s17 =	simm.s32 $0x0;
	s18 =	sand.u32 $0x7C00, s18;
	s16 =	sadd.s32 $0x1900, s15;
	v3 =	vor.u32 $0x80, v1  }
0x3d: {  	s21 =	sand.u32 $0x70, s17;
	(ifvalue) =	ssetifvalue $0x7FFFFFFF;
	s18 =	sadd.s32 s18, s16;
	v3 =	vnsel vm1, $0x7FFFFFFF, v3  }
0x3e: {  	(ifvalue) =	ssetifvalue $0x7FFFFFFF;
	s21 =	sadd.s32 s21, s18  }
0x3f: {  	v4 =	vor.u32 $0x100, v1;
	[tilespmem:s21], [sflag:$0x1] =	stream.indirect_vreg.gather [hbm4b:s3+s11], $0x1, v2, vm0, $0x4038;
	[tilespmem:$0x1A900] =	vst v63  }
0x40: {  	v2 =	vnsel vm1, $0x7FFFFFFF, v4;
	(ifvalue) =	ssetifvalue $0x7FFFFFFF  }
0x41: {  	s18 =	sadd.s32 $0x80, s21;
	(ifvalue) =	ssetifvalue $0x7FFFFFFF  }
0x42: {  	v52 =	vor.u32 $0x180, v1;
	[tilespmem:s18], [sflag:$0x1] =	stream.indirect_vreg.gather [hbm4b:s3+s11], $0x1, v3, vm0, $0x4038;
	[tilespmem:$0x1A900] =	vst v63  }
0x43: {  	v3 =	vnsel vm1, $0x7FFFFFFF, v52;
	(ifvalue) =	ssetifvalue $0x7FFFFFFF  }
0x44: {  	s28 =	sadd.s32 $0x100, s21;
	(ifvalue) =	ssetifvalue $0x7FFFFFFF  }
0x45: {  	v53 =	vor.u32 $0x200, v1;
	[tilespmem:s28], [sflag:$0x1] =	stream.indirect_vreg.gather [hbm4b:s3+s11], $0x1, v2, vm0, $0x4038;
	[tilespmem:$0x1A900] =	vst v63  }
0x46: {  	v2 =	vnsel vm1, $0x7FFFFFFF, v53;
	(ifvalue) =	ssetifvalue $0x7FFFFFFF  }
0x47: {  	s29 =	sadd.s32 $0x180, s21;
	(ifvalue) =	ssetifvalue $0x7FFFFFFF  }
0x48: {  	v54 =	vor.u32 $0x280, v1;
	[tilespmem:s29], [sflag:$0x1] =	stream.indirect_vreg.gather [hbm4b:s3+s11], $0x1, v3, vm0, $0x4038;
	[tilespmem:$0x1A900] =	vst v63  }
0x49: {  	v3 =	vnsel vm1, $0x7FFFFFFF, v54;
	(ifvalue) =	ssetifvalue $0x7FFFFFFF  }
0x4a: {  	s30 =	sadd.s32 $0x200, s21;
	(ifvalue) =	ssetifvalue $0x7FFFFFFF  }
0x4b: {  	v55 =	vor.u32 $0x300, v1;
	[tilespmem:s30], [sflag:$0x1] =	stream.indirect_vreg.gather [hbm4b:s3+s11], $0x1, v2, vm0, $0x4038;
	[tilespmem:$0x1A900] =	vst v63  }
0x4c: {  	v2 =	vnsel vm1, $0x7FFFFFFF, v55;
	(ifvalue) =	ssetifvalue $0x7FFFFFFF  }
0x4d: {  	s31 =	sand.u32 $0x7, s17;
	s22 =	sadd.s32 $0x280, s21;
	(ifvalue) =	ssetifvalue $0x7FFFFFFF  }
0x4e: {  	v56 =	vor.u32 $0x380, v1;
	[tilespmem:s22], [sflag:$0x1] =	stream.indirect_vreg.gather [hbm4b:s3+s11], $0x1, v3, vm0, $0x4038;
	[tilespmem:$0x1A900] =	vst v63  }
0x4f: {  	s18 =	sshll.u32 s31, $0x4;
	v3 =	vnsel vm1, $0x7FFFFFFF, v56;
	(ifvalue) =	ssetifvalue $0x7FFFFFFF  }
0x50: {  	s23 =	sadd.s32 $0x300, s21;
	s18 =	sadd.s32 $0x0, s18;
	(ifvalue) =	ssetifvalue $0x7FFFFFFF  }
0x51: {  	v57 =	vadd.s32 $0x271000, v1;
	[tilespmem:s23], [sflag:$0x1] =	stream.indirect_vreg.gather [hbm4b:s3+s11], $0x1, v2, vm0, $0x4038;
	[tilespmem:$0x1A900] =	vst v63  }
0x52: {  	s18 =	sor.u32 $0x380, s18;
	v2 =	vnsel vm1, $0x7FFFFFFF, v57;
	(ifvalue) =	ssetifvalue $0x7FFFFFFF  }
0x53: {  	s18 =	sadd.s32 s18, s16;
	(ifvalue) =	ssetifvalue $0x7FFFFFFF  }
0x54: {  	v58 =	vadd.s32 $0x271080, v1;
	[tilespmem:s18], [sflag:$0x1] =	stream.indirect_vreg.gather [hbm4b:s3+s11], $0x1, v3, vm0, $0x4038;
	[tilespmem:$0x1A900] =	vst v63  }
0x55: {  	v3 =	vnsel vm1, $0x7FFFFFFF, v58;
	(ifvalue) =	ssetifvalue $0x7FFFFFFF  }
0x56: {  	s24 =	sadd.s32 $0x6400, s21;
	(ifvalue) =	ssetifvalue $0x7FFFFFFF  }
0x57: {  	v59 =	vadd.s32 $0x271100, v1;
	[tilespmem:s24], [sflag:$0x1] =	stream.indirect_vreg.gather [hbm4b:s3+s11], $0x1, v2, vm0, $0x4038;
	[tilespmem:$0x1A900] =	vst v63  }
0x58: {  	v2 =	vnsel vm1, $0x7FFFFFFF, v59;
	(ifvalue) =	ssetifvalue $0x7FFFFFFF  }
0x59: {  	s25 =	sadd.s32 $0x6480, s21;
	(ifvalue) =	ssetifvalue $0x7FFFFFFF  }
0x5a: {  	v60 =	vadd.s32 $0x271180, v1;
	[tilespmem:s25], [sflag:$0x1] =	stream.indirect_vreg.gather [hbm4b:s3+s11], $0x1, v3, vm0, $0x4038;
	[tilespmem:$0x1A900] =	vst v63  }
0x5b: {  	v3 =	vnsel vm1, $0x7FFFFFFF, v60;
	(ifvalue) =	ssetifvalue $0x7FFFFFFF  }
0x5c: {  	s26 =	sadd.s32 $0x6500, s21;
	(ifvalue) =	ssetifvalue $0x7FFFFFFF  }
0x5d: {  	v61 =	vadd.s32 $0x271200, v1;
	[tilespmem:s26], [sflag:$0x1] =	stream.indirect_vreg.gather [hbm4b:s3+s11], $0x1, v2, vm0, $0x4038;
	[tilespmem:$0x1A900] =	vst v63  }
0x5e: {  	v2 =	vnsel vm1, $0x7FFFFFFF, v61;
	(ifvalue) =	ssetifvalue $0x7FFFFFFF  }
0x5f: {  	s28 =	sadd.s32 $0x6580, s21;
	(ifvalue) =	ssetifvalue $0x7FFFFFFF  }
0x60: {  	v62 =	vadd.s32 $0x271280, v1;
	[tilespmem:s28], [sflag:$0x1] =	stream.indirect_vreg.gather [hbm4b:s3+s11], $0x1, v3, vm0, $0x4038;
	[tilespmem:$0x1A900] =	vst v63  }
0x61: {  	v3 =	vnsel vm1, $0x7FFFFFFF, v62;
	(ifvalue) =	ssetifvalue $0x7FFFFFFF  }
0x62: {  	s29 =	sadd.s32 $0x6600, s21;
	(ifvalue) =	ssetifvalue $0x7FFFFFFF  }
0x63: {  	v63 =	vadd.s32 $0x271300, v1;
	[tilespmem:s29], [sflag:$0x1] =	stream.indirect_vreg.gather [hbm4b:s3+s11], $0x1, v2, vm0, $0x4038;
	[tilespmem:$0x1A900] =	vst v63  }
0x64: {  	s20 =	sadd.s32 $0xFFFFFFF0, s20;
	s19 =	sadd.s32 $0x10, s19;
	v2 =	vnsel vm1, $0x7FFFFFFF, v63;
	(ifvalue) =	ssetifvalue $0x7FFFFFFF  }
0x65: {  	s31 =	sadd.s32 $0x6700, s21;
	s30 =	sadd.s32 $0x6680, s21;
	(ifvalue) =	ssetifvalue $0x7FFFFFFF  }
0x66: {  	[tilespmem:s30], [sflag:$0x1] =	stream.indirect_vreg.gather [hbm4b:s3+s11], $0x1, v3, vm0, $0x4038;
	[tilespmem:$0x1A900] =	vst v63  }
0x67: {  	v1 =	vadd.s32 $0x271380, v1;
	s22 =	simm.s32 $0x0;
	s23 =	sadd.s32 $0x6780, s21;
	(ifvalue) =	ssetifvalue $0x7FFFFFFF  }
0x68: {  	v1 =	vnsel vm1, $0x7FFFFFFF, v1;
	s21 =	simm.s32 $0xFFFF9C80;
	s18 =	simm.s32 $0x10;
	(ifvalue) =	ssetifvalue $0x7FFFFFFF  }
0x69: {  	[tilespmem:s31], [sflag:$0x1] =	stream.indirect_vreg.gather [hbm4b:s3+s11], $0x1, v2, vm0, $0x4038;
	[tilespmem:$0x1A900] =	vst v63  }
.LBB2_3:
0x6a: {  	(ifvalue) =	ssetifvalue $0x7FFFFFFF  }
0x6b: {  	s17 =	sadd.s32 $0x80, s17;
	s22 =	sadd.s32 $0x1, s22;
	s24 =	smov.u32 s18  }
0x6c: {  	p1 =	sne.s32 s18, $0xC70;
	s18 =	sadd.s32 $0x10, s18;
	(ifvalue) =	ssetifvalue $0x7FFFFFFF  }
0x6d: {  	[tilespmem:s23], [sflag:$0x1] =	stream.indirect_vreg.gather [hbm4b:s3+s11], $0x1, v1, vm0, $0x4038;
	[tilespmem:$0x1A900] =	vst v63  }
0x6e: {  	v1 =	vld.msk [tilespmem:s19+$0x0 ss:$0x1], $0xffff;
	_ =	sdelay $0x4  }
0x6f: {  	p2 =	sgt.s32 s20, $0x0;
	s23 =	smov.u32 s20;
	vm1 =	vgt.s32 v1, $0x0  }
0x70: {  	s23 =	simm.s32 @!p2 $0x0;
	v1 =	vnsel vm1, $0x0, v1  }
0x71: {  	s23 =	smin.u32 s23, $0x10;
	v1 =	vmin.u32 v1, $0x4E1FF  }
0x72: {  	v2 =	vmov s23;
	v3 =	vshll.u32 v1, $0x3  }
0x73: {  	vm1 =	vgt.u32 v2, v0;
	v1 =	vand.u32 $0x7F, v1;
	v2 =	vand.u32 $0x3FFC00, v3  }
0x74: {  	v1 =	vor.u32 v1, v2  }
0x75: {  	s23 =	sadd.s32 $0x6400, s21;
	v2 =	vnsel vm1, $0x7FFFFFFF, v1  }
0x76: {  	s23 =	sand.u32 $0x7C00, s23;
	v3 =	vor.u32 $0x80, v1;
	v4 =	vor.u32 $0x100, v1;
	v5 =	vor.u32 $0x180, v1  }
0x77: {  	s24 =	sand.u32 $0x70, s24;
	s23 =	sadd.s32 s23, s16;
	v6 =	vor.u32 $0x200, v1;
	v3 =	vnsel vm1, $0x7FFFFFFF, v3;
	v4 =	vnsel vm1, $0x7FFFFFFF, v4;
	(ifvalue) =	ssetifvalue $0x7FFFFFFF  }
0x78: {  	s23 =	sadd.s32 s24, s23;
	v7 =	vor.u32 $0x280, v1;
	v8 =	vor.u32 $0x300, v1;
	v5 =	vnsel vm1, $0x7FFFFFFF, v5;
	(ifvalue) =	ssetifvalue $0x7FFFFFFF  }
0x79: {  	v9 =	vor.u32 $0x380, v1;
	v6 =	vnsel vm1, $0x7FFFFFFF, v6;
	v7 =	vnsel vm1, $0x7FFFFFFF, v7  }
0x7a: {  	v10 =	vadd.s32 $0x271000, v1;
	v11 =	vadd.s32 $0x271100, v1;
	v8 =	vnsel vm1, $0x7FFFFFFF, v8  }
0x7b: {  	[tilespmem:s23], [sflag:$0x1] =	stream.indirect_vreg.gather [hbm4b:s3+s11], $0x1, v2, vm0, $0x4038;
	v2 =	vnsel vm1, $0x7FFFFFFF, v9;
	v9 =	vnsel vm1, $0x7FFFFFFF, v10;
	v10 =	vadd.s32 $0x271080, v1;
	[tilespmem:$0x1A900] =	vst v63  }
0x7c: {  	v12 =	vadd.s32 $0x271180, v1;
	(ifvalue) =	ssetifvalue $0x7FFFFFFF;
	v10 =	vnsel vm1, $0x7FFFFFFF, v10  }
0x7d: {  	s24 =	sadd.s32 $0x80, s23;
	v13 =	vadd.s32 $0x271280, v1;
	v11 =	vnsel vm1, $0x7FFFFFFF, v11;
	(ifvalue) =	ssetifvalue $0x7FFFFFFF  }
0x7e: {  	[tilespmem:s24], [sflag:$0x1] =	stream.indirect_vreg.gather [hbm4b:s3+s11], $0x1, v3, vm0, $0x4038;
	v3 =	vnsel vm1, $0x7FFFFFFF, v12;
	v12 =	vadd.s32 $0x271200, v1;
	[tilespmem:$0x1A900] =	vst v63  }
0x7f: {  	v14 =	vadd.s32 $0x271300, v1;
	v13 =	vnsel vm1, $0x7FFFFFFF, v13;
	(ifvalue) =	ssetifvalue $0x7FFFFFFF;
	v12 =	vnsel vm1, $0x7FFFFFFF, v12  }
0x80: {  	v14 =	vnsel vm1, $0x7FFFFFFF, v14;
	s24 =	sadd.s32 $0x100, s23;
	v1 =	vadd.s32 $0x271380, v1;
	(ifvalue) =	ssetifvalue $0x7FFFFFFF  }
0x81: {  	v1 =	vnsel vm1, $0x7FFFFFFF, v1;
	[tilespmem:s24], [sflag:$0x1] =	stream.indirect_vreg.gather [hbm4b:s3+s11], $0x1, v4, vm0, $0x4038;
	[tilespmem:$0x1A900] =	vst v63  }
0x82: {  	(ifvalue) =	ssetifvalue $0x7FFFFFFF  }
0x83: {  	s24 =	sadd.s32 $0x180, s23;
	(ifvalue) =	ssetifvalue $0x7FFFFFFF  }
0x84: {  	[tilespmem:s24], [sflag:$0x1] =	stream.indirect_vreg.gather [hbm4b:s3+s11], $0x1, v5, vm0, $0x4038;
	[tilespmem:$0x1A900] =	vst v63  }
0x85: {  	(ifvalue) =	ssetifvalue $0x7FFFFFFF  }
0x86: {  	s24 =	sadd.s32 $0x200, s23;
	(ifvalue) =	ssetifvalue $0x7FFFFFFF  }
0x87: {  	[tilespmem:s24], [sflag:$0x1] =	stream.indirect_vreg.gather [hbm4b:s3+s11], $0x1, v6, vm0, $0x4038;
	[tilespmem:$0x1A900] =	vst v63  }
0x88: {  	(ifvalue) =	ssetifvalue $0x7FFFFFFF  }
0x89: {  	s25 =	sadd.s32 $0x280, s23;
	s24 =	sand.u32 $0x7, s22;
	(ifvalue) =	ssetifvalue $0x7FFFFFFF  }
0x8a: {  	[tilespmem:s25], [sflag:$0x1] =	stream.indirect_vreg.gather [hbm4b:s3+s11], $0x1, v7, vm0, $0x4038;
	[tilespmem:$0x1A900] =	vst v63  }
0x8b: {  	s24 =	sshll.u32 s24, $0x4;
	(ifvalue) =	ssetifvalue $0x7FFFFFFF  }
0x8c: {  	s24 =	sadd.s32 s24, s17;
	s25 =	sadd.s32 $0x300, s23;
	(ifvalue) =	ssetifvalue $0x7FFFFFFF  }
0x8d: {  	[tilespmem:s25], [sflag:$0x1] =	stream.indirect_vreg.gather [hbm4b:s3+s11], $0x1, v8, vm0, $0x4038;
	[tilespmem:$0x1A900] =	vst v63  }
0x8e: {  	s24 =	sor.u32 $0x380, s24;
	(ifvalue) =	ssetifvalue $0x7FFFFFFF  }
0x8f: {  	s24 =	sadd.s32 s24, s16;
	(ifvalue) =	ssetifvalue $0x7FFFFFFF  }
0x90: {  	[tilespmem:s24], [sflag:$0x1] =	stream.indirect_vreg.gather [hbm4b:s3+s11], $0x1, v2, vm0, $0x4038;
	[tilespmem:$0x1A900] =	vst v63  }
0x91: {  	(ifvalue) =	ssetifvalue $0x7FFFFFFF  }
0x92: {  	s24 =	sadd.s32 $0x6400, s23;
	(ifvalue) =	ssetifvalue $0x7FFFFFFF  }
0x93: {  	[tilespmem:s24], [sflag:$0x1] =	stream.indirect_vreg.gather [hbm4b:s3+s11], $0x1, v9, vm0, $0x4038;
	[tilespmem:$0x1A900] =	vst v63  }
0x94: {  	(ifvalue) =	ssetifvalue $0x7FFFFFFF  }
0x95: {  	s24 =	sadd.s32 $0x6480, s23;
	(ifvalue) =	ssetifvalue $0x7FFFFFFF  }
0x96: {  	[tilespmem:s24], [sflag:$0x1] =	stream.indirect_vreg.gather [hbm4b:s3+s11], $0x1, v10, vm0, $0x4038;
	[tilespmem:$0x1A900] =	vst v63  }
0x97: {  	(ifvalue) =	ssetifvalue $0x7FFFFFFF  }
0x98: {  	s24 =	sadd.s32 $0x6500, s23;
	(ifvalue) =	ssetifvalue $0x7FFFFFFF  }
0x99: {  	[tilespmem:s24], [sflag:$0x1] =	stream.indirect_vreg.gather [hbm4b:s3+s11], $0x1, v11, vm0, $0x4038;
	[tilespmem:$0x1A900] =	vst v63  }
0x9a: {  	(ifvalue) =	ssetifvalue $0x7FFFFFFF  }
0x9b: {  	s25 =	sadd.s32 $0x6600, s23;
	s24 =	sadd.s32 $0x6580, s23;
	(ifvalue) =	ssetifvalue $0x7FFFFFFF  }
0x9c: {  	[tilespmem:s24], [sflag:$0x1] =	stream.indirect_vreg.gather [hbm4b:s3+s11], $0x1, v3, vm0, $0x4038;
	[tilespmem:$0x1A900] =	vst v63  }
0x9d: {  	(ifvalue) =	ssetifvalue $0x7FFFFFFF  }
0x9e: {  	s24 =	sadd.s32 $0x6680, s23;
	(ifvalue) =	ssetifvalue $0x7FFFFFFF  }
0x9f: {  	[tilespmem:s25], [sflag:$0x1] =	stream.indirect_vreg.gather [hbm4b:s3+s11], $0x1, v12, vm0, $0x4038;
	[tilespmem:$0x1A900] =	vst v63  }
0xa0: {  	(ifvalue) =	ssetifvalue $0x7FFFFFFF  }
.Ltmp3:
0xa1: {  	s25 =	sadd.s32 $0x6700, s23;
	(ifvalue) =	ssetifvalue $0x7FFFFFFF;
	(pc) =	sbr.rel @p1 .LBB2_3-.Ltmp3, $4  }
0xa2: {  	[tilespmem:s24], [sflag:$0x1] =	stream.indirect_vreg.gather [hbm4b:s3+s11], $0x1, v13, vm0, $0x4038;
	[tilespmem:$0x1A900] =	vst v63  }
0xa3: {  	s20 =	sadd.s32 $0xFFFFFFF0, s20;
	s19 =	sadd.s32 $0x10, s19;
	(ifvalue) =	ssetifvalue $0x7FFFFFFF  }
0xa4: {  	s21 =	sadd.s32 $0x80, s21;
	s23 =	sadd.s32 $0x6780, s23;
	(ifvalue) =	ssetifvalue $0x7FFFFFFF  }
0xa5: {  	[tilespmem:s25], [sflag:$0x1] =	stream.indirect_vreg.gather [hbm4b:s3+s11], $0x1, v14, vm0, $0x4038;
	[tilespmem:$0x1A900] =	vst v63  }
.Ltmp4:
0xa6: {  	_ = 	snop;
	(pc) =	sbr.rel .LBB2_4-.Ltmp4, $1  }
0xa7: {  	_ =	sdelay $0x3  }
.LBB2_6:
0xa8: {  	_ =	sfence.sel $0x180000  }
0xa9: {  	s2 =	simm.s32 $0x2;
	[bflag:$0x0] =	sbarrier.arrive $0xFFFF  }
0xaa: {  	s30 =	simm.s32 $0x3;
	[sflag:s2] =	ssyncpa.u1 $0x1  }
0xab: {  	s31 =	simm.s32 $0x1;
	[sflag:s30] =	ssyncpa.u1 $0x1  }
0xac: {  	[sflag:s31] =	ssyncpa.u1 $0x1  }
0xad: {  	p0 =	sne.s32 s0, $0x0;
	_ =	strace $0x90000047  }
0xae: {  	s0 =	sadd.s32 @!p0 $0x100000, s1;
	[bflag:$0x2] =	sbarrier.arrive $0xFFFF  }
0xaf: {  	[sflag:s0] =	ssyncadd.tile.s32 @!p0 $0x1;
	_ =	shalt  }
.Lfunc_end2:
_tile_overlayer_lowered:
.L_overlay_start_2:
0xb0: {  	(tag) =	ssettag $0x2  }
0xb1: {  	s0 =	rddreg [dreg:$0x0];
	s2 =	stileid.u32  }
0xb2: {  	s1 =	rddreg [dreg:$0x1];
	p0 =	sne.s32 s2, $0x0  }
0xb3: {  	s3 =	rddreg [dreg:$0x2];
	[bflag:$0x3] =	sbarrier.arrive $0xFFFF;
	s2 =	simm.s32 @!p0 $0x1C01  }
0xb4: {  	[timem:s3], [sflag:s2] =	dma.local @!p0 [hbm:s0], s1  }
0xb5: {  	s0 =	simm.s32 @!p0 $0x1  }
0xb6: {  	_ =	swait.ge @!p0 [sflag:s0], s1  }
0xb7: {  	s1 =	ssub.s32 @!p0 $0x0, s1;
	[sflag:s0] =	ssyncset.done @!p0 $0x0  }
0xb8: {  	[sflag:s0] =	ssyncadd.s32 @!p0 s1  }
0xb9: {  	[bflag:$0x3] =	sbarrier.arrive $0xFFFF  }
0xba: {  	_ =	shalt  }

// kernel: kernel.10.cloned.1.call-start
scs
__scs_entry_jumppad:
0x0: {  	(pc) =	sbr.rel $0x88, $3  }
0x1: {  	(tag) =	ssettag $0x0;
	lr =	simm.s32 $0x1  }
0x2: {  	[smem:$0x3F90] =	sst lr;
	_ =	strace $0xD0000000  }
0x3: {  	_ = 	snop  }
0x4: {  	_ = 	snop  }
0x5: {  	_ = 	snop  }
0x6: {  	_ = 	snop  }
0x7: {  	_ = 	snop  }
__scs_overlays_trampoline_lowered:
0x8: {  	[smem:$0x3F9F] =	sst s0  }
0x9: {  	[smem:$0x3FA0] =	sst s1  }
0xa: {  	[smem:$0x3FA1] =	sst s2  }
0xb: {  	[smem:$0x3FA2] =	sst s3  }
0xc: {  	[smem:$0x3FA3] =	sst s4  }
0xd: {  	[smem:$0x3FA4] =	sst s5  }
0xe: {  	[smem:$0x3FA5] =	sst s6  }
0xf: {  	[smem:$0x3FA6] =	sst s7  }
0x10: {  	[smem:$0x3FA7] =	sst s8  }
0x11: {  	[smem:$0x3FA8] =	sst s9;
	s0 =	simm.s32 @!p0 $0x0  }
0x12: {  	s1 =	sld [smem:$0x3F8E];
	s0 =	simm.s32 @p0 $0x1  }
0x13: {  	[smem:$0x3FA9] =	sst s0;
	s0 =	simm.s32 @!p1 $0x0  }
0x14: {  	s2 =	sld [smem:$0x3F8D];
	s0 =	simm.s32 @p1 $0x1  }
0x15: {  	[smem:$0x3FAA] =	sst s0;
	s0 =	simm.s32 @!p2 $0x0  }
0x16: {  	s3 =	sld [smem:$0x3FDB];
	s0 =	simm.s32 @p2 $0x1  }
0x17: {  	s4 =	simm.s32 $0x1BF5;
	[smem:$0x3FAC] =	sst s0  }
0x18: {  	s0 =	sld [smem:$0x3F8F];
	_ =	swait.ge [sflag:s4], $0x0  }
0x19: {  	s7 =	sld [smem:$0x3F90]  }
0x1a: {  	s8 =	sadd.s32 $0xFFFFE003, lr  }
0x1b: {  	s9 =	sadd.s32 $0xFFFFFEF7, lr;
	s5 =	simm.s32 $0xFFFFFFFF;
	p2 =	slt.u32 s8, $0xFFFFF086  }
0x1c: {  	p1 =	slt.u32 s9, $0xF7A;
	s5 =	simm.s32 @!p2 $0x0  }
0x1d: {  	s5 =	simm.s32 @p1 $0x1;
	p0 =	seq.s32 s7, s2  }
0x1e: {  	s7 =	smul.u32 @!p0 $0xF7A, s2;
	p2 =	seq.s32 @!p0 s5, $0x0  }
0x1f: {  	s9 =	smul.u32 $0xF7A, s1;
	s8 =	simm.s32 @!p0 $0x1BF5;
	p2 =	por !p2, p0  }
0x20: {  	[sflag:s8] =	ssyncset.s32 @!p0 $0xFFFFF086;
	s6 =	sadd.s32 @!p0 s3, s7;
	s7 =	simm.s32 @!p0 $0x108  }
0x21: {  	s3 =	sadd.s32 s3, s9;
	s6 =	sadd.s32 @!p0 $0x88, s6;
	s7 =	simm.s32 @p2 $0x1082  }
0x22: {  	[simem:s7], [sflag:s8] =	dma.local @!p0 [hbm:s6], $0xF7A  }
0x23: {  	s9 =	sor.u32 $0xD0000000, s2;
	s6 =	simm.s32 $0x108;
	_ =	swait.ge @!p0 [sflag:s8], $0x0  }
0x24: {  	s3 =	sadd.s32 $0x88, s3;
	s6 =	simm.s32 @!p1 $0x1082;
	[sflag:s4] =	ssyncset.s32 $0xFFFFF086  }
0x25: {  	[simem:s6], [sflag:s4] =	dma.local [hbm:s3], $0xF7A  }
0x26: {  	[smem:$0x3F90] =	sst s1;
	(tag) =	ssettag s2;
	_ =	strace s9  }
0x27: {  	s1 =	sld [smem:$0x3FA0]  }
0x28: {  	s2 =	sld [smem:$0x3FA1]  }
0x29: {  	s4 =	sld [smem:$0x3FA3]  }
0x2a: {  	p0 =	seq.s32 s5, $0x0;
	s5 =	sld [smem:$0x3FA4]  }
0x2b: {  	s6 =	sld [smem:$0x3FA5]  }
0x2c: {  	s7 =	sld [smem:$0x3FA6]  }
0x2d: {  	s3 =	simm.s32 $0x108;
	s8 =	sld [smem:$0x3FA7]  }
0x2e: {  	s3 =	simm.s32 @!p0 $0x1082;
	s9 =	sld [smem:$0x3FA8]  }
0x2f: {  	lr =	sadd.s32 s0, s3;
	s0 =	sld [smem:$0x3F9F]  }
0x30: {  	s3 =	sld [smem:$0x3FA2]  }
0x31: {  	[smem:$0x3FAB] =	sst s10  }
0x32: {  	s10 =	sld [smem:$0x3FA9];
	_ =	sdelay $0x3  }
0x33: {  	p0 =	seq.s32 s10, $0x1;
	s10 =	sld [smem:$0x3FAB];
	_ =	sdelay $0x3  }
0x34: {  	[smem:$0x3FAB] =	sst s10  }
0x35: {  	s10 =	sld [smem:$0x3FAA];
	_ =	sdelay $0x3  }
0x36: {  	p1 =	seq.s32 s10, $0x1;
	s10 =	sld [smem:$0x3FAB];
	_ =	sdelay $0x3  }
0x37: {  	[smem:$0x3FAB] =	sst s10  }
0x38: {  	s10 =	sld [smem:$0x3FAC]  }
0x39: {  	_ = 	snop;
	(pc) =	sbr.ind lr, $3  }
0x3a: {  	_ = 	snop  }
0x3b: {  	_ = 	snop  }
0x3c: {  	p2 =	seq.s32 s10, $0x1;
	s10 =	sld [smem:$0x3FAB]  }
0x3d: {  	_ =	shalt  }
0x3e: {  	_ =	shalt  }
0x3f: {  	_ =	shalt  }
0x40: {  	_ =	shalt  }
0x41: {  	_ =	shalt  }
0x42: {  	_ =	shalt  }
0x43: {  	_ =	shalt  }
0x44: {  	_ =	shalt  }
0x45: {  	_ =	shalt  }
0x46: {  	_ =	shalt  }
0x47: {  	_ =	shalt  }
0x48: {  	_ =	shalt  }
0x49: {  	_ =	shalt  }
0x4a: {  	_ =	shalt  }
0x4b: {  	_ =	shalt  }
0x4c: {  	_ =	shalt  }
0x4d: {  	_ =	shalt  }
0x4e: {  	_ =	shalt  }
0x4f: {  	_ =	shalt  }
0x50: {  	_ =	shalt  }
0x51: {  	_ =	shalt  }
0x52: {  	_ =	shalt  }
0x53: {  	_ =	shalt  }
0x54: {  	_ =	shalt  }
0x55: {  	_ =	shalt  }
0x56: {  	_ =	shalt  }
0x57: {  	_ =	shalt  }
0x58: {  	_ =	shalt  }
0x59: {  	_ =	shalt  }
0x5a: {  	_ =	shalt  }
0x5b: {  	_ =	shalt  }
0x5c: {  	_ =	shalt  }
0x5d: {  	_ =	shalt  }
0x5e: {  	_ =	shalt  }
0x5f: {  	_ =	shalt  }
0x60: {  	_ =	shalt  }
0x61: {  	_ =	shalt  }
0x62: {  	_ =	shalt  }
0x63: {  	_ =	shalt  }
0x64: {  	_ =	shalt  }
0x65: {  	_ =	shalt  }
0x66: {  	_ =	shalt  }
0x67: {  	_ =	shalt  }
0x68: {  	_ =	shalt  }
0x69: {  	_ =	shalt  }
0x6a: {  	_ =	shalt  }
0x6b: {  	_ =	shalt  }
0x6c: {  	_ =	shalt  }
0x6d: {  	_ =	shalt  }
0x6e: {  	_ =	shalt  }
0x6f: {  	_ =	shalt  }
0x70: {  	_ =	shalt  }
0x71: {  	_ =	shalt  }
0x72: {  	_ =	shalt  }
0x73: {  	_ =	shalt  }
0x74: {  	_ =	shalt  }
0x75: {  	_ =	shalt  }
0x76: {  	_ =	shalt  }
0x77: {  	_ =	shalt  }
0x78: {  	_ =	shalt  }
0x79: {  	_ =	shalt  }
0x7a: {  	_ =	shalt  }
0x7b: {  	_ =	shalt  }
0x7c: {  	_ =	shalt  }
0x7d: {  	_ =	shalt  }
0x7e: {  	_ =	shalt  }
0x7f: {  	_ =	shalt  }
0x80: {  	_ =	shalt  }
0x81: {  	_ =	shalt  }
0x82: {  	_ =	shalt  }
0x83: {  	_ =	shalt  }
0x84: {  	_ =	shalt  }
0x85: {  	_ =	shalt  }
0x86: {  	_ =	shalt  }
0x87: {  	_ =	shalt  }
.Lfunc_end0:
.L_simem_size_0:
called_computation.1_lowered:
.L_overlay_start_0:
0x88: {  	s2 =	sld [smem:$0x3FD9]  }
0x89: {  	s3 =	sld [smem:$0x3FFE];
	_ =	sdelay $0x1  }
0x8a: {  	s1 =	srdreg.scid  }
0x8b: {  	s0 =	sand.u32 $0x1, s1  }
0x8c: {  	s17 =	sshll.u32 s0, $0xA;
	s2 =	sadd.s32 s3, s2  }
0x8d: {  	s2 =	sadd.s32 s2, s17  }
0x8e: {  	[smem:$0x3FB7] =	sst s2  }
0x8f: {  	_ = 	snop  }
0x90: {  	(tm) =	ssettm $0x1  }
0x91: {  	s18 =	sld [smem:$0x3FFB];
	_ =	sdelay $0x3  }
0x92: {  	_ =	strace s18  }
0x93: {  	s2 =	sld [smem:$0x3FFC];
	_ =	sdelay $0x3  }
0x94: {  	_ =	strace s2  }
0x95: {  	s2 =	sld [smem:$0x3FFD];
	_ =	sdelay $0x3  }
0x96: {  	_ =	strace s2  }
0x97: {  	_ =	strace $0x8FFFFFFF  }
0x98: {  	s19 =	sld [smem:$0x3FDB];
	_ =	sdelay $0x1  }
0x99: {  	s20 =	simm.s32 $_scs_section_size  }
0x9a: {  	s4 =	simm.s32 $_size__tile_overlayer_lowered;
	s5 =	simm.s32 $_tile_overlayer_lowered  }
0x9b: {  	s6 =	simm.s32 $0x1BFF;
	s21 =	sshll.u32 s5, $0x1;
	s3 =	sadd.s32 s20, s19  }
0x9c: {  	s22 =	simm.s32 $0x0;
	s4 =	sshll.u32 s4, $0x1;
	s5 =	sadd.s32 s21, s3  }
0x9d: {  	[timem:s22], [sflag:s6] =	dma.local [hbm:s5], s4  }
0x9e: {  	_ =	swait.ge [sflag:s6], s4  }
0x9f: {  	s4 =	ssub.s32 $0x0, s4;
	[sflag:s6] =	ssyncset.done $0x0  }
0xa0: {  	[sflag:s6] =	ssyncadd.s32 s4;
	_ =	sdelay $0x1  }
0xa1: {  	s23 =	simm.s32 $0x1B8B  }
0xa2: {  	_ =	swait.ge [sflag:s23], $0x1  }
0xa3: {  	[sflag:s23] =	ssyncset.done $0x0  }
0xa4: {  	[sflag:s23] =	ssyncadd.s32 $0xFFFFFFFF  }
0xa5: {  	s4 =	sld [smem:$0x0]  }
0xa6: {  	s5 =	sand.u32 $0xFFFFFFFE, s1  }
0xa7: {  	p0 =	sne.s32 s1, s5  }
0xa8: {  	s5 =	sshll.u32 @p0 s5, $0xE  }
0xa9: {  	s5 =	sadd.s32 @p0 $0x11B8D, s5;
	s6 =	sshll.u32 @p0 s4, $0x11  }
0xaa: {  	s5 =	sor.u32 @p0 s6, s5  }
0xab: {  	[sflag:s5] =	ssyncadd.remote.s32 @p0 $0x1;
	_ =	sdelay $0x1  }
0xac: {  	s5 =	simm.s32 @p0 $0x1B8D  }
0xad: {  	_ =	swait.eq @p0 [sflag:s5], $0x1  }
0xae: {  	[sflag:s5] =	ssyncadd.s32 @p0 $0xFFFFFFFF  }
0xaf: {  	s6 =	sshll.u32 @!p0 s1, $0xE  }
0xb0: {  	s6 =	sor.u32 @!p0 $0x4000, s6;
	s5 =	simm.s32 @!p0 $0x1B8D  }
0xb1: {  	s4 =	sshll.u32 @!p0 s4, $0x11;
	s6 =	sadd.s32 @!p0 $0x11B8D, s6;
	_ =	swait.eq @!p0 [sflag:s5], $0x1  }
0xb2: {  	s4 =	sor.u32 @!p0 s4, s6;
	[sflag:s5] =	ssyncadd.s32 @!p0 $0xFFFFFFFF  }
0xb3: {  	s25 =	simm.s32 $0x1B8E;
	s24 =	sld [smem:$0x3FFE];
	[sflag:s4] =	ssyncadd.remote.s32 @!p0 $0x1  }
0xb4: {  	s26 =	simm.s32 $execute0_lowered;
	[smem:$0x3FD2] =	sst s25  }
0xb5: {  	s5 =	sshll.u32 s26, $0x1;
	_ =	strace $0x80000049;
	[dreg:$0x1] =	wrdreg $0xFFFFFFFF  }
0xb6: {  	s28 =	simm.s32 $_size_execute0_lowered;
	s3 =	sadd.s32 s3, s5;
	[dreg:$0x0] =	wrdreg $0x0  }
0xb7: {  	s5 =	sshll.u32 s28, $0x1;
	[dreg:$0x2] =	wrdreg s3  }
0xb8: {  	[dreg:$0x3] =	wrdreg s5  }
0xb9: {  	[dreg:$0x4] =	wrdreg $0xC0  }
0xba: {  	_ =	task [dreg:s22], $0x5FFFF  }
0xbb: {  	[dreg:$0x1] =	wrdreg $0xFFFFFFFF  }
0xbc: {  	[dreg:$0x0] =	wrdreg $0x60  }
0xbd: {  	[dreg:$0x2] =	wrdreg s24  }
0xbe: {  	[dreg:$0x3] =	wrdreg $0xA  }
0xbf: {  	_ =	task.clear_ibuf [dreg:s22], $0x4FFFF;
	_ =	strace $0x90000049  }
0xc0: {  	s29 =	simm.s32 $0xA;
	_ =	strace $0x8000004B  }
0xc1: {  	_ =	swait.ge [sflag:s29], $0x1  }
0xc2: {  	[sflag:s29] =	ssyncadd.s32 $0xFFFFFFFF  }
0xc3: {  	_ =	strace $0x9000004B  }
0xc4: {  	_ =	sfence  }
0xc5: {  	s30 =	sld [smem:$0x0];
	_ =	sdelay $0x2  }
0xc6: {  	s31 =	sshll.u32 s1, $0xD;
	s1 =	sshrl.u32 s1, $0x2  }
0xc7: {  	s4 =	sand.u32 $0x4000, s31;
	s1 =	sadd.s32 s1, s30  }
0xc8: {  	s0 =	sor.u32 s4, s0;
	s1 =	sshll.u32 s1, $0x11  }
0xc9: {  	s0 =	sor.u32 s1, s0  }
0xca: {  	s0 =	sadd.s32 $0x8F2B, s0  }
0xcb: {  	[sflag:s0] =	ssyncadd.remote.s32 $0x1  }
0xcc: {  	_ =	sfence.sel $0xFFFF  }
0xcd: {  	[dreg:$0x0] =	wrdreg $0xFFFFFFFF;
	(pc) =	sbr.abs _section_cstart, $3  }
0xce: {  	[dreg:$0x1] =	wrdreg $0xFFFFFFFF  }
0xcf: {  	_ =	task.clear_ibuf [dreg:s22], $0x2FFFF;
	_ =	strace $0x9FFFFFFF  }
0xd0: {  	(tm) =	ssettm $0x7FFFFFFF  }
0xd1: {  	_ =	shalt  }
tec
execute0_lowered:
.L_overlay_start_1:
0x0: {  	(tag) =	ssettag $0x1  }
0x1: {  	s1 =	srdreg.scid;
	s0 =	stileid.u32  }
0x2: {  	s7 =	rddreg [dreg:$0x0];
	s2 =	simm.s32 $0x0;
	s11 =	simm.s32 $0x2C80  }
0x3: {  	s12 =	simm.s32 $0x3480;
	s13 =	simm.s32 $0x3C80;
	s14 =	simm.s32 $0x4480  }
0x4: {  	s15 =	simm.s32 $0x4C80;
	s16 =	simm.s32 $0x5480;
	s17 =	simm.s32 $0x5C80  }
0x5: {  	s18 =	simm.s32 $0x6480;
	s19 =	simm.s32 $0x1;
	s20 =	simm.s32 $0x0  }
0x6: {  	s4 =	sand.u32 $0x1, s1;
	s3 =	sshll.u32 s0, $0x1;
	s1 =	rddreg [dreg:$0x1]  }
0x7: {  	[smem:$0x7FF] =	sst s2;
	s6 =	smul.u32 $0x2C1000, s0;
	s3 =	sor.u32 s4, s3  }
0x8: {  	_ =	strace $0x8000004A;
	s8 =	ssub.s32 $0x2, s4;
	s31 =	smul.u32 $0x160800, s4  }
0x9: {  	s3 =	smul.u32 $0x2C10, s3;
	s9 =	sshrl.u32 s8, $0x1;
	s10 =	sadd.s32 s6, s7  }
0xa: {  	s6 =	sadd.s32 $0xD9400, s7;
	s8 =	ssub.s32 s8, s9;
	s9 =	sadd.s32 s31, s10  }
0xb: {  	v2 =	vlaneseq.u32;
	s10 =	simm.s32 $0x2;
	s5 =	sshrl.u32 s3, $0x3;
	s3 =	sadd.s32 $0xD9200, s7  }
0xc: {  	vm0 =	vmmov $0xffff;
	v1 =	vshrl.u32 v2, $0x3;
	s8 =	smax.u32 s8, $0x1;
	s9 =	sadd.s32 $0x359200, s9;
	s5 =	sadd.s32 s5, s7  }
0xd: {  	v0 =	vand.u32 $0x7, v2;
	v2 =	vor.u32 $0x8, v2;
	v1 =	vmul.u32 $0x8, v1;
	s4 =	sadd.s32 $0xCE000, s5;
	s5 =	sadd.s32 $0xD9300, s7;
	s7 =	sadd.s32 $0xD9500, s7  }
.LBB2_1:
0xe: {  	[tilespmem:s2], [sflag:$0x2] =	stream.linear.gather [hbm4b:s4+s2], $0x2C10, $0x38;
	[tilespmem:$0x6C80] =	vst v63  }
0xf: {  	_ =	swait.ge [sflag:s10], $0x2C10  }
0x10: {  	[sflag:s10] =	ssyncset.done $0x0  }
0x11: {  	s21 =	simm.s32 $0x0;
	[sflag:s10] =	ssyncadd.s32 $0xFFFFD3F0  }
0x12: {  	v3 =	vld [tilespmem:s21+$0x0];
	_ =	sdelay $0x4  }
0x13: {  	v4 =	vshll.u32 v3, $0x3  }
0x14: {  	v3 =	vand.u32 $0x7, v3;
	v4 =	vand.u32 $0xFFFFFFC0, v4  }
0x15: {  	v3 =	vor.u32 v3, v4  }
0x16: {  	v4 =	vperm.xlane v3, v0;
	_ =	sdelay $0x1  }
0x17: {  	v4 =	vadd.s32 v1, v4;
	_ =	sdelay $0x4  }
0x18: {  	[tilespmem:s11], [sflag:$0x1] =	stream.indirect_vreg.gather [hbm4b:s3+s2], $0x80, v4, vm0, $0xb8;
	[tilespmem:$0x6C80] =	vst v63  }
0x19: {  	v3 =	vperm.xlane v3, v2  }
0x1a: {  	[tilespmem:s12], [sflag:$0x1] =	stream.indirect_vreg.gather [hbm4b:s5+s2], $0x80, v4, vm0, $0xb8;
	[tilespmem:$0x6C80] =	vst v63  }
0x1b: {  	v3 =	vadd.s32 v1, v3  }
0x1c: {  	[tilespmem:s13], [sflag:$0x1] =	stream.indirect_vreg.gather [hbm4b:s6+s2], $0x80, v4, vm0, $0xb8;
	[tilespmem:$0x6C80] =	vst v63  }
0x1d: {  	_ = 	snop  }
0x1e: {  	[tilespmem:s14], [sflag:$0x1] =	stream.indirect_vreg.gather [hbm4b:s7+s2], $0x80, v4, vm0, $0xb8;
	[tilespmem:$0x6C80] =	vst v63  }
0x1f: {  	_ = 	snop  }
0x20: {  	[tilespmem:s15], [sflag:$0x1] =	stream.indirect_vreg.gather [hbm4b:s3+s2], $0x80, v3, vm0, $0xb8;
	[tilespmem:$0x6C80] =	vst v63  }
0x21: {  	_ = 	snop  }
0x22: {  	[tilespmem:s16], [sflag:$0x1] =	stream.indirect_vreg.gather [hbm4b:s5+s2], $0x80, v3, vm0, $0xb8;
	[tilespmem:$0x6C80] =	vst v63  }
0x23: {  	_ = 	snop  }
0x24: {  	[tilespmem:s17], [sflag:$0x1] =	stream.indirect_vreg.gather [hbm4b:s6+s2], $0x80, v3, vm0, $0xb8;
	[tilespmem:$0x6C80] =	vst v63  }
0x25: {  	_ = 	snop  }
0x26: {  	[tilespmem:s18], [sflag:$0x1] =	stream.indirect_vreg.gather [hbm4b:s7+s2], $0x80, v3, vm0, $0xb8;
	[tilespmem:$0x6C80] =	vst v63  }
0x27: {  	_ =	swait.ge [sflag:s19], $0x4000  }
0x28: {  	[sflag:s19] =	ssyncset.done $0x0  }
0x29: {  	[sflag:s19] =	ssyncadd.s32 $0xFFFFC000  }
0x2a: {  	[hbm4b:s9+s2] =	stream.linear.scatter [tilespmem:s11], [sflag:$0x2], $0x4000, $0x38;
	[tilespmem:$0x6C80] =	vst v63  }
0x2b: {  	s22 =	simm.s32 $0x40;
	_ =	swait.ge [sflag:s10], $0x4000  }
0x2c: {  	s23 =	simm.s32 $0x80;
	s21 =	sadd.s32 $0x800, s9;
	[sflag:s10] =	ssyncset.done $0x0  }
.LBB2_2:
0x2d: {  	s24 =	sshra.s32 s22, $0x2  }
0x2e: {  	[sflag:s10] =	ssyncadd.s32 $0xFFFFC000;
	s22 =	smov.u32 s23;
	s25 =	sadd.s32 $0x40, s23  }
0x2f: {  	p0 =	sne.s32 s23, $0xB000;
	v3 =	vld [tilespmem:s24+$0x0];
	_ =	sdelay $0x4  }
0x30: {  	v4 =	vshll.u32 v3, $0x3  }
0x31: {  	v3 =	vand.u32 $0x7, v3;
	v4 =	vand.u32 $0xFFFFFFC0, v4  }
0x32: {  	v3 =	vor.u32 v3, v4  }
0x33: {  	v4 =	vperm.xlane v3, v0;
	v3 =	vperm.xlane v3, v2;
	_ =	sdelay $0x1  }
0x34: {  	v4 =	vadd.s32 v1, v4;
	_ =	sdelay $0x4  }
0x35: {  	[tilespmem:s11], [sflag:$0x1] =	stream.indirect_vreg.gather [hbm4b:s3+s2], $0x80, v4, vm0, $0xb8;
	[tilespmem:$0x6C80] =	vst v63  }
0x36: {  	_ = 	snop  }
0x37: {  	[tilespmem:s12], [sflag:$0x1] =	stream.indirect_vreg.gather [hbm4b:s5+s2], $0x80, v4, vm0, $0xb8;
	[tilespmem:$0x6C80] =	vst v63  }
0x38: {  	v3 =	vadd.s32 v1, v3  }
0x39: {  	[tilespmem:s13], [sflag:$0x1] =	stream.indirect_vreg.gather [hbm4b:s6+s2], $0x80, v4, vm0, $0xb8;
	[tilespmem:$0x6C80] =	vst v63  }
0x3a: {  	_ = 	snop  }
0x3b: {  	[tilespmem:s14], [sflag:$0x1] =	stream.indirect_vreg.gather [hbm4b:s7+s2], $0x80, v4, vm0, $0xb8;
	[tilespmem:$0x6C80] =	vst v63  }
0x3c: {  	_ = 	snop  }
0x3d: {  	[tilespmem:s15], [sflag:$0x1] =	stream.indirect_vreg.gather [hbm4b:s3+s2], $0x80, v3, vm0, $0xb8;
	[tilespmem:$0x6C80] =	vst v63  }
0x3e: {  	_ = 	snop  }
0x3f: {  	[tilespmem:s16], [sflag:$0x1] =	stream.indirect_vreg.gather [hbm4b:s5+s2], $0x80, v3, vm0, $0xb8;
	[tilespmem:$0x6C80] =	vst v63  }
0x40: {  	_ = 	snop  }
0x41: {  	[tilespmem:s17], [sflag:$0x1] =	stream.indirect_vreg.gather [hbm4b:s6+s2], $0x80, v3, vm0, $0xb8;
	[tilespmem:$0x6C80] =	vst v63  }
0x42: {  	_ = 	snop  }
0x43: {  	[tilespmem:s18], [sflag:$0x1] =	stream.indirect_vreg.gather [hbm4b:s7+s2], $0x80, v3, vm0, $0xb8;
	[tilespmem:$0x6C80] =	vst v63  }
0x44: {  	_ =	swait.ge [sflag:s19], $0x4000  }
.Ltmp0:
0x45: {  	[sflag:s19] =	ssyncset.done $0x0;
	(pc) =	sbr.rel @p0 .LBB2_2-.Ltmp0, $4  }
0x46: {  	[sflag:s19] =	ssyncadd.s32 $0xFFFFC000  }
0x47: {  	[hbm4b:s21+s2] =	stream.linear.scatter [tilespmem:s11], [sflag:$0x2], $0x4000, $0x38;
	[tilespmem:$0x6C80] =	vst v63  }
0x48: {  	_ =	swait.ge [sflag:s10], $0x4000  }
0x49: {  	s23 =	smov.u32 s25;
	s21 =	sadd.s32 $0x800, s21;
	[sflag:s10] =	ssyncset.done $0x0  }
0x4a: {  	s22 =	sshra.s32 s22, $0x2;
	[sflag:s10] =	ssyncadd.s32 $0xFFFFC000  }
0x4b: {  	v3 =	vld [tilespmem:s22+$0x0];
	_ =	sdelay $0x4  }
0x4c: {  	v4 =	vshll.u32 v3, $0x3  }
0x4d: {  	v3 =	vand.u32 $0x7, v3;
	v4 =	vand.u32 $0xFFFFFFC0, v4  }
0x4e: {  	v3 =	vor.u32 v3, v4  }
0x4f: {  	v4 =	vperm.xlane v3, v0;
	_ =	sdelay $0x1  }
0x50: {  	v4 =	vadd.s32 v1, v4;
	_ =	sdelay $0x4  }
0x51: {  	[tilespmem:s11], [sflag:$0x1] =	stream.indirect_vreg.gather [hbm4b:s3+s2], $0x80, v4, vm0, $0xb8;
	[tilespmem:$0x6C80] =	vst v63  }
0x52: {  	v3 =	vperm.xlane v3, v2  }
0x53: {  	[tilespmem:s12], [sflag:$0x1] =	stream.indirect_vreg.gather [hbm4b:s5+s2], $0x80, v4, vm0, $0xb8;
	[tilespmem:$0x6C80] =	vst v63  }
0x54: {  	v3 =	vadd.s32 v1, v3  }
0x55: {  	[tilespmem:s13], [sflag:$0x1] =	stream.indirect_vreg.gather [hbm4b:s6+s2], $0x80, v4, vm0, $0xb8;
	[tilespmem:$0x6C80] =	vst v63  }
0x56: {  	_ = 	snop  }
0x57: {  	[tilespmem:s14], [sflag:$0x1] =	stream.indirect_vreg.gather [hbm4b:s7+s2], $0x80, v4, vm0, $0xb8;
	[tilespmem:$0x6C80] =	vst v63  }
0x58: {  	_ = 	snop  }
0x59: {  	[tilespmem:s15], [sflag:$0x1] =	stream.indirect_vreg.gather [hbm4b:s3+s2], $0x80, v3, vm0, $0xb8;
	[tilespmem:$0x6C80] =	vst v63  }
0x5a: {  	_ = 	snop  }
0x5b: {  	[tilespmem:s16], [sflag:$0x1] =	stream.indirect_vreg.gather [hbm4b:s5+s2], $0x80, v3, vm0, $0xb8;
	[tilespmem:$0x6C80] =	vst v63  }
0x5c: {  	_ = 	snop  }
0x5d: {  	[tilespmem:s17], [sflag:$0x1] =	stream.indirect_vreg.gather [hbm4b:s6+s2], $0x80, v3, vm0, $0xb8;
	[tilespmem:$0x6C80] =	vst v63  }
0x5e: {  	_ = 	snop  }
0x5f: {  	[tilespmem:s18], [sflag:$0x1] =	stream.indirect_vreg.gather [hbm4b:s7+s2], $0x80, v3, vm0, $0xb8;
	[tilespmem:$0x6C80] =	vst v63  }
0x60: {  	s20 =	sadd.s32 $0x1, s20;
	_ =	swait.ge [sflag:s19], $0x4000  }
0x61: {  	p0 =	sne.s32 s20, s8;
	[sflag:s19] =	ssyncset.done $0x0  }
.Ltmp1:
0x62: {  	[sflag:s19] =	ssyncadd.s32 $0xFFFFC000;
	(pc) =	sbr.rel @p0 .LBB2_1-.Ltmp1, $4  }
0x63: {  	[hbm4b:s21+s2] =	stream.linear.scatter [tilespmem:s11], [sflag:$0x2], $0x4000, $0x38;
	[tilespmem:$0x6C80] =	vst v63  }
0x64: {  	_ =	swait.ge [sflag:s10], $0x4000  }
0x65: {  	[sflag:s10] =	ssyncset.done $0x0  }
0x66: {  	[sflag:s10] =	ssyncadd.s32 $0xFFFFC000  }
0x67: {  	_ =	sfence.sel $0x180000  }
0x68: {  	[bflag:$0x0] =	sbarrier.arrive $0xFFFF  }
0x69: {  	p0 =	sne.s32 s0, $0x0;
	_ =	strace $0x9000004A  }
0x6a: {  	s0 =	sadd.s32 @!p0 $0x100000, s1;
	[bflag:$0x2] =	sbarrier.arrive $0xFFFF  }
0x6b: {  	[sflag:s0] =	ssyncadd.tile.s32 @!p0 $0x1;
	_ =	shalt  }
.Lfunc_end2:
_tile_overlayer_lowered:
.L_overlay_start_2:
0x6c: {  	(tag) =	ssettag $0x2  }
0x6d: {  	s0 =	rddreg [dreg:$0x0];
	s2 =	stileid.u32  }
0x6e: {  	s1 =	rddreg [dreg:$0x1];
	p0 =	sne.s32 s2, $0x0  }
0x6f: {  	s3 =	rddreg [dreg:$0x2];
	[bflag:$0x3] =	sbarrier.arrive $0xFFFF;
	s2 =	simm.s32 @!p0 $0x1C02  }
0x70: {  	[timem:s3], [sflag:s2] =	dma.local @!p0 [hbm:s0], s1  }
0x71: {  	s0 =	simm.s32 @!p0 $0x2  }
0x72: {  	_ =	swait.ge @!p0 [sflag:s0], s1  }
0x73: {  	s1 =	ssub.s32 @!p0 $0x0, s1;
	[sflag:s0] =	ssyncset.done @!p0 $0x0  }
0x74: {  	[sflag:s0] =	ssyncadd.s32 @!p0 s1  }
0x75: {  	[bflag:$0x3] =	sbarrier.arrive $0xFFFF  }
0x76: {  	_ =	shalt  }

// kernel: kernel.13.cloned.1.call-start
scs
__scs_entry_jumppad:
0x0: {  	(pc) =	sbr.rel $0x88, $3  }
0x1: {  	(tag) =	ssettag $0x0;
	lr =	simm.s32 $0x1  }
0x2: {  	[smem:$0x3F90] =	sst lr;
	_ =	strace $0xD0000000  }
0x3: {  	_ = 	snop  }
0x4: {  	_ = 	snop  }
0x5: {  	_ = 	snop  }
0x6: {  	_ = 	snop  }
0x7: {  	_ = 	snop  }
__scs_overlays_trampoline_lowered:
0x8: {  	[smem:$0x3F9F] =	sst s0  }
0x9: {  	[smem:$0x3FA0] =	sst s1  }
0xa: {  	[smem:$0x3FA1] =	sst s2  }
0xb: {  	[smem:$0x3FA2] =	sst s3  }
0xc: {  	[smem:$0x3FA3] =	sst s4  }
0xd: {  	[smem:$0x3FA4] =	sst s5  }
0xe: {  	[smem:$0x3FA5] =	sst s6  }
0xf: {  	[smem:$0x3FA6] =	sst s7  }
0x10: {  	[smem:$0x3FA7] =	sst s8  }
0x11: {  	[smem:$0x3FA8] =	sst s9;
	s0 =	simm.s32 @!p0 $0x0  }
0x12: {  	s1 =	sld [smem:$0x3F8E];
	s0 =	simm.s32 @p0 $0x1  }
0x13: {  	[smem:$0x3FA9] =	sst s0;
	s0 =	simm.s32 @!p1 $0x0  }
0x14: {  	s2 =	sld [smem:$0x3F8D];
	s0 =	simm.s32 @p1 $0x1  }
0x15: {  	[smem:$0x3FAA] =	sst s0;
	s0 =	simm.s32 @!p2 $0x0  }
0x16: {  	s3 =	sld [smem:$0x3FDB];
	s0 =	simm.s32 @p2 $0x1  }
0x17: {  	s4 =	simm.s32 $0x1BF5;
	[smem:$0x3FAC] =	sst s0  }
0x18: {  	s0 =	sld [smem:$0x3F8F];
	_ =	swait.ge [sflag:s4], $0x0  }
0x19: {  	s7 =	sld [smem:$0x3F90]  }
0x1a: {  	s8 =	sadd.s32 $0xFFFFE003, lr  }
0x1b: {  	s9 =	sadd.s32 $0xFFFFFEF7, lr;
	s5 =	simm.s32 $0xFFFFFFFF;
	p2 =	slt.u32 s8, $0xFFFFF086  }
0x1c: {  	p1 =	slt.u32 s9, $0xF7A;
	s5 =	simm.s32 @!p2 $0x0  }
0x1d: {  	s5 =	simm.s32 @p1 $0x1;
	p0 =	seq.s32 s7, s2  }
0x1e: {  	s7 =	smul.u32 @!p0 $0xF7A, s2;
	p2 =	seq.s32 @!p0 s5, $0x0  }
0x1f: {  	s9 =	smul.u32 $0xF7A, s1;
	s8 =	simm.s32 @!p0 $0x1BF5;
	p2 =	por !p2, p0  }
0x20: {  	[sflag:s8] =	ssyncset.s32 @!p0 $0xFFFFF086;
	s6 =	sadd.s32 @!p0 s3, s7;
	s7 =	simm.s32 @!p0 $0x108  }
0x21: {  	s3 =	sadd.s32 s3, s9;
	s6 =	sadd.s32 @!p0 $0x88, s6;
	s7 =	simm.s32 @p2 $0x1082  }
0x22: {  	[simem:s7], [sflag:s8] =	dma.local @!p0 [hbm:s6], $0xF7A  }
0x23: {  	s9 =	sor.u32 $0xD0000000, s2;
	s6 =	simm.s32 $0x108;
	_ =	swait.ge @!p0 [sflag:s8], $0x0  }
0x24: {  	s3 =	sadd.s32 $0x88, s3;
	s6 =	simm.s32 @!p1 $0x1082;
	[sflag:s4] =	ssyncset.s32 $0xFFFFF086  }
0x25: {  	[simem:s6], [sflag:s4] =	dma.local [hbm:s3], $0xF7A  }
0x26: {  	[smem:$0x3F90] =	sst s1;
	(tag) =	ssettag s2;
	_ =	strace s9  }
0x27: {  	s1 =	sld [smem:$0x3FA0]  }
0x28: {  	s2 =	sld [smem:$0x3FA1]  }
0x29: {  	s4 =	sld [smem:$0x3FA3]  }
0x2a: {  	p0 =	seq.s32 s5, $0x0;
	s5 =	sld [smem:$0x3FA4]  }
0x2b: {  	s6 =	sld [smem:$0x3FA5]  }
0x2c: {  	s7 =	sld [smem:$0x3FA6]  }
0x2d: {  	s3 =	simm.s32 $0x108;
	s8 =	sld [smem:$0x3FA7]  }
0x2e: {  	s3 =	simm.s32 @!p0 $0x1082;
	s9 =	sld [smem:$0x3FA8]  }
0x2f: {  	lr =	sadd.s32 s0, s3;
	s0 =	sld [smem:$0x3F9F]  }
0x30: {  	s3 =	sld [smem:$0x3FA2]  }
0x31: {  	[smem:$0x3FAB] =	sst s10  }
0x32: {  	s10 =	sld [smem:$0x3FA9];
	_ =	sdelay $0x3  }
0x33: {  	p0 =	seq.s32 s10, $0x1;
	s10 =	sld [smem:$0x3FAB];
	_ =	sdelay $0x3  }
0x34: {  	[smem:$0x3FAB] =	sst s10  }
0x35: {  	s10 =	sld [smem:$0x3FAA];
	_ =	sdelay $0x3  }
0x36: {  	p1 =	seq.s32 s10, $0x1;
	s10 =	sld [smem:$0x3FAB];
	_ =	sdelay $0x3  }
0x37: {  	[smem:$0x3FAB] =	sst s10  }
0x38: {  	s10 =	sld [smem:$0x3FAC]  }
0x39: {  	_ = 	snop;
	(pc) =	sbr.ind lr, $3  }
0x3a: {  	_ = 	snop  }
0x3b: {  	_ = 	snop  }
0x3c: {  	p2 =	seq.s32 s10, $0x1;
	s10 =	sld [smem:$0x3FAB]  }
0x3d: {  	_ =	shalt  }
0x3e: {  	_ =	shalt  }
0x3f: {  	_ =	shalt  }
0x40: {  	_ =	shalt  }
0x41: {  	_ =	shalt  }
0x42: {  	_ =	shalt  }
0x43: {  	_ =	shalt  }
0x44: {  	_ =	shalt  }
0x45: {  	_ =	shalt  }
0x46: {  	_ =	shalt  }
0x47: {  	_ =	shalt  }
0x48: {  	_ =	shalt  }
0x49: {  	_ =	shalt  }
0x4a: {  	_ =	shalt  }
0x4b: {  	_ =	shalt  }
0x4c: {  	_ =	shalt  }
0x4d: {  	_ =	shalt  }
0x4e: {  	_ =	shalt  }
0x4f: {  	_ =	shalt  }
0x50: {  	_ =	shalt  }
0x51: {  	_ =	shalt  }
0x52: {  	_ =	shalt  }
0x53: {  	_ =	shalt  }
0x54: {  	_ =	shalt  }
0x55: {  	_ =	shalt  }
0x56: {  	_ =	shalt  }
0x57: {  	_ =	shalt  }
0x58: {  	_ =	shalt  }
0x59: {  	_ =	shalt  }
0x5a: {  	_ =	shalt  }
0x5b: {  	_ =	shalt  }
0x5c: {  	_ =	shalt  }
0x5d: {  	_ =	shalt  }
0x5e: {  	_ =	shalt  }
0x5f: {  	_ =	shalt  }
0x60: {  	_ =	shalt  }
0x61: {  	_ =	shalt  }
0x62: {  	_ =	shalt  }
0x63: {  	_ =	shalt  }
0x64: {  	_ =	shalt  }
0x65: {  	_ =	shalt  }
0x66: {  	_ =	shalt  }
0x67: {  	_ =	shalt  }
0x68: {  	_ =	shalt  }
0x69: {  	_ =	shalt  }
0x6a: {  	_ =	shalt  }
0x6b: {  	_ =	shalt  }
0x6c: {  	_ =	shalt  }
0x6d: {  	_ =	shalt  }
0x6e: {  	_ =	shalt  }
0x6f: {  	_ =	shalt  }
0x70: {  	_ =	shalt  }
0x71: {  	_ =	shalt  }
0x72: {  	_ =	shalt  }
0x73: {  	_ =	shalt  }
0x74: {  	_ =	shalt  }
0x75: {  	_ =	shalt  }
0x76: {  	_ =	shalt  }
0x77: {  	_ =	shalt  }
0x78: {  	_ =	shalt  }
0x79: {  	_ =	shalt  }
0x7a: {  	_ =	shalt  }
0x7b: {  	_ =	shalt  }
0x7c: {  	_ =	shalt  }
0x7d: {  	_ =	shalt  }
0x7e: {  	_ =	shalt  }
0x7f: {  	_ =	shalt  }
0x80: {  	_ =	shalt  }
0x81: {  	_ =	shalt  }
0x82: {  	_ =	shalt  }
0x83: {  	_ =	shalt  }
0x84: {  	_ =	shalt  }
0x85: {  	_ =	shalt  }
0x86: {  	_ =	shalt  }
0x87: {  	_ =	shalt  }
.Lfunc_end0:
.L_simem_size_0:
called_computation.2_lowered:
.L_overlay_start_0:
0x88: {  	s2 =	sld [smem:$0x3FD9]  }
0x89: {  	s3 =	sld [smem:$0x3FFE];
	_ =	sdelay $0x1  }
0x8a: {  	s1 =	srdreg.scid  }
0x8b: {  	s0 =	sand.u32 $0x1, s1  }
0x8c: {  	s16 =	sshll.u32 s0, $0xA;
	s2 =	sadd.s32 s3, s2  }
0x8d: {  	s2 =	sadd.s32 s2, s16  }
0x8e: {  	[smem:$0x3FB7] =	sst s2  }
0x8f: {  	_ = 	snop  }
0x90: {  	(tm) =	ssettm $0x1  }
0x91: {  	s17 =	sld [smem:$0x3FFB];
	_ =	sdelay $0x3  }
0x92: {  	_ =	strace s17  }
0x93: {  	s2 =	sld [smem:$0x3FFC];
	_ =	sdelay $0x3  }
0x94: {  	_ =	strace s2  }
0x95: {  	s2 =	sld [smem:$0x3FFD];
	_ =	sdelay $0x3  }
0x96: {  	_ =	strace s2  }
0x97: {  	_ =	strace $0x8FFFFFFF  }
0x98: {  	s18 =	sld [smem:$0x3FDB];
	_ =	sdelay $0x1  }
0x99: {  	s19 =	simm.s32 $_scs_section_size  }
0x9a: {  	s4 =	simm.s32 $_size__tile_overlayer_lowered;
	s5 =	simm.s32 $_tile_overlayer_lowered  }
0x9b: {  	s22 =	simm.s32 $0x1BFF;
	s21 =	sshll.u32 s5, $0x1;
	s2 =	sadd.s32 s19, s18  }
0x9c: {  	s6 =	simm.s32 $0x0;
	s20 =	sshll.u32 s4, $0x1;
	s4 =	sadd.s32 s21, s2  }
0x9d: {  	[timem:s6], [sflag:s22] =	dma.local [hbm:s4], s20  }
0x9e: {  	_ =	swait.ge [sflag:s22], s20  }
0x9f: {  	s3 =	ssub.s32 $0x0, s20;
	[sflag:s22] =	ssyncset.done $0x0  }
0xa0: {  	[sflag:s22] =	ssyncadd.s32 s3;
	_ =	sdelay $0x1  }
0xa1: {  	s23 =	simm.s32 $0x1B8B  }
0xa2: {  	_ =	swait.ge [sflag:s23], $0x1  }
0xa3: {  	[sflag:s23] =	ssyncset.done $0x0  }
0xa4: {  	s25 =	simm.s32 $0x1B8E;
	s24 =	sld [smem:$0x3FFE];
	[sflag:s23] =	ssyncadd.s32 $0xFFFFFFFF  }
0xa5: {  	s26 =	simm.s32 $execute0_lowered;
	[smem:$0x3FD2] =	sst s25  }
0xa6: {  	s4 =	sshll.u32 s26, $0x1;
	_ =	strace $0x8000004C;
	[dreg:$0x1] =	wrdreg $0xFFFFFFFF  }
0xa7: {  	s28 =	simm.s32 $_size_execute0_lowered;
	s2 =	sadd.s32 s2, s4;
	[dreg:$0x0] =	wrdreg $0x0  }
0xa8: {  	s4 =	sshll.u32 s28, $0x1;
	[dreg:$0x2] =	wrdreg s2  }
0xa9: {  	[dreg:$0x3] =	wrdreg s4  }
0xaa: {  	[dreg:$0x4] =	wrdreg $0xC0  }
0xab: {  	_ =	task [dreg:s6], $0x5FFFF  }
0xac: {  	[dreg:$0x1] =	wrdreg $0xFFFFFFFF  }
0xad: {  	[dreg:$0x0] =	wrdreg $0x60  }
0xae: {  	[dreg:$0x2] =	wrdreg s24  }
0xaf: {  	[dreg:$0x3] =	wrdreg $0x9  }
0xb0: {  	_ =	task.clear_ibuf [dreg:s6], $0x4FFFF;
	_ =	strace $0x9000004C  }
0xb1: {  	s29 =	simm.s32 $0x9;
	_ =	strace $0x8000004E  }
0xb2: {  	_ =	swait.ge [sflag:s29], $0x1  }
0xb3: {  	[sflag:s29] =	ssyncadd.s32 $0xFFFFFFFF  }
0xb4: {  	_ =	strace $0x9000004E  }
0xb5: {  	_ =	sfence  }
0xb6: {  	s30 =	sld [smem:$0x0];
	_ =	sdelay $0x2  }
0xb7: {  	s31 =	sshll.u32 s1, $0xD;
	s1 =	sshrl.u32 s1, $0x2  }
0xb8: {  	s3 =	sand.u32 $0x4000, s31;
	s1 =	sadd.s32 s1, s30  }
0xb9: {  	s0 =	sor.u32 s3, s0;
	s1 =	sshll.u32 s1, $0x11  }
0xba: {  	s0 =	sor.u32 s1, s0  }
0xbb: {  	s0 =	sadd.s32 $0x8F2B, s0  }
0xbc: {  	[sflag:s0] =	ssyncadd.remote.s32 $0x1  }
0xbd: {  	_ =	sfence.sel $0xFFFF  }
0xbe: {  	[dreg:$0x0] =	wrdreg $0xFFFFFFFF;
	(pc) =	sbr.abs _section_cstart, $3  }
0xbf: {  	[dreg:$0x1] =	wrdreg $0xFFFFFFFF  }
0xc0: {  	_ =	task.clear_ibuf [dreg:s6], $0x2FFFF;
	_ =	strace $0x9FFFFFFF  }
0xc1: {  	(tm) =	ssettm $0x7FFFFFFF  }
tec
execute0_lowered:
.L_overlay_start_1:
0x0: {  	(tag) =	ssettag $0x1  }
0x1: {  	s1 =	srdreg.scid;
	s0 =	stileid.u32  }
0x2: {  	s7 =	rddreg [dreg:$0x0];
	s2 =	simm.s32 $0x0;
	s11 =	simm.s32 $0x2C80  }
0x3: {  	s12 =	simm.s32 $0x3480;
	s13 =	simm.s32 $0x3C80;
	s14 =	simm.s32 $0x4480  }
0x4: {  	s15 =	simm.s32 $0x4C80;
	s16 =	simm.s32 $0x5480;
	s17 =	simm.s32 $0x5C80  }
0x5: {  	s18 =	simm.s32 $0x6480;
	s5 =	sand.u32 $0x1, s1;
	s1 =	rddreg [dreg:$0x1]  }
0x6: {  	s19 =	simm.s32 $0x1;
	s30 =	sshll.u32 s0, $0x1;
	[smem:$0x7FF] =	sst s2  }
0x7: {  	s6 =	smul.u32 $0x2C1000, s0;
	s3 =	sor.u32 s5, s30;
	_ =	strace $0x8000004D  }
0x8: {  	s31 =	ssub.s32 $0x2, s5;
	s10 =	smul.u32 $0x160800, s5;
	s5 =	sadd.s32 $0x3A6D300, s7  }
0x9: {  	s20 =	simm.s32 $0x0;
	s4 =	smul.u32 $0x2C10, s3;
	s3 =	sadd.s32 $0x3A6D200, s7  }
0xa: {  	s9 =	sadd.s32 s6, s7;
	s8 =	sshrl.u32 s31, $0x1;
	s6 =	sadd.s32 $0x3A6D400, s7  }
0xb: {  	v2 =	vlaneseq.u32;
	s8 =	ssub.s32 s31, s8;
	s9 =	sadd.s32 s10, s9;
	s4 =	sshrl.u32 s4, $0x3  }
0xc: {  	vm0 =	vmmov $0xffff;
	v1 =	vshrl.u32 v2, $0x3;
	s10 =	simm.s32 $0x2;
	s8 =	smax.u32 s8, $0x1;
	s4 =	sadd.s32 s4, s7  }
0xd: {  	v0 =	vand.u32 $0x7, v2;
	v2 =	vor.u32 $0x8, v2;
	v1 =	vmul.u32 $0x8, v1;
	s9 =	sadd.s32 $0xD9200, s9;
	s7 =	sadd.s32 $0x3A6D500, s7;
	s4 =	sadd.s32 $0xCE000, s4  }
.LBB2_1:
0xe: {  	[tilespmem:s2], [sflag:$0x2] =	stream.linear.gather [hbm4b:s4+s2], $0x2C10, $0x38;
	[tilespmem:$0x6C80] =	vst v63  }
0xf: {  	_ =	swait.ge [sflag:s10], $0x2C10  }
0x10: {  	[sflag:s10] =	ssyncset.done $0x0  }
0x11: {  	s21 =	simm.s32 $0x0;
	[sflag:s10] =	ssyncadd.s32 $0xFFFFD3F0  }
0x12: {  	v3 =	vld [tilespmem:s21+$0x0];
	_ =	sdelay $0x4  }
0x13: {  	v4 =	vshll.u32 v3, $0x3  }
0x14: {  	v3 =	vand.u32 $0x7, v3;
	v4 =	vand.u32 $0xFFFFFFC0, v4  }
0x15: {  	v3 =	vor.u32 v3, v4  }
0x16: {  	v4 =	vperm.xlane v3, v0;
	_ =	sdelay $0x1  }
0x17: {  	v4 =	vadd.s32 v1, v4;
	_ =	sdelay $0x4  }
0x18: {  	[tilespmem:s11], [sflag:$0x1] =	stream.indirect_vreg.gather [hbm4b:s3+s2], $0x80, v4, vm0, $0xb8;
	[tilespmem:$0x6C80] =	vst v63  }
0x19: {  	v3 =	vperm.xlane v3, v2  }
0x1a: {  	[tilespmem:s12], [sflag:$0x1] =	stream.indirect_vreg.gather [hbm4b:s5+s2], $0x80, v4, vm0, $0xb8;
	[tilespmem:$0x6C80] =	vst v63  }
0x1b: {  	v3 =	vadd.s32 v1, v3  }
0x1c: {  	[tilespmem:s13], [sflag:$0x1] =	stream.indirect_vreg.gather [hbm4b:s6+s2], $0x80, v4, vm0, $0xb8;
	[tilespmem:$0x6C80] =	vst v63  }
0x1d: {  	_ = 	snop  }
0x1e: {  	[tilespmem:s14], [sflag:$0x1] =	stream.indirect_vreg.gather [hbm4b:s7+s2], $0x80, v4, vm0, $0xb8;
	[tilespmem:$0x6C80] =	vst v63  }
0x1f: {  	_ = 	snop  }
0x20: {  	[tilespmem:s15], [sflag:$0x1] =	stream.indirect_vreg.gather [hbm4b:s3+s2], $0x80, v3, vm0, $0xb8;
	[tilespmem:$0x6C80] =	vst v63  }
0x21: {  	_ = 	snop  }
0x22: {  	[tilespmem:s16], [sflag:$0x1] =	stream.indirect_vreg.gather [hbm4b:s5+s2], $0x80, v3, vm0, $0xb8;
	[tilespmem:$0x6C80] =	vst v63  }
0x23: {  	_ = 	snop  }
0x24: {  	[tilespmem:s17], [sflag:$0x1] =	stream.indirect_vreg.gather [hbm4b:s6+s2], $0x80, v3, vm0, $0xb8;
	[tilespmem:$0x6C80] =	vst v63  }
0x25: {  	_ = 	snop  }
0x26: {  	[tilespmem:s18], [sflag:$0x1] =	stream.indirect_vreg.gather [hbm4b:s7+s2], $0x80, v3, vm0, $0xb8;
	[tilespmem:$0x6C80] =	vst v63  }
0x27: {  	_ =	swait.ge [sflag:s19], $0x4000  }
0x28: {  	[sflag:s19] =	ssyncset.done $0x0  }
0x29: {  	[sflag:s19] =	ssyncadd.s32 $0xFFFFC000  }
0x2a: {  	[hbm4b:s9+s2] =	stream.linear.scatter [tilespmem:s11], [sflag:$0x2], $0x4000, $0x38;
	[tilespmem:$0x6C80] =	vst v63  }
0x2b: {  	s22 =	simm.s32 $0x40;
	_ =	swait.ge [sflag:s10], $0x4000  }
0x2c: {  	s23 =	simm.s32 $0x80;
	s21 =	sadd.s32 $0x800, s9;
	[sflag:s10] =	ssyncset.done $0x0  }
.LBB2_2:
0x2d: {  	s24 =	sshra.s32 s22, $0x2  }
0x2e: {  	[sflag:s10] =	ssyncadd.s32 $0xFFFFC000;
	s22 =	smov.u32 s23;
	s25 =	sadd.s32 $0x40, s23  }
0x2f: {  	p0 =	sne.s32 s23, $0xB000;
	v3 =	vld [tilespmem:s24+$0x0];
	_ =	sdelay $0x4  }
0x30: {  	v4 =	vshll.u32 v3, $0x3  }
0x31: {  	v3 =	vand.u32 $0x7, v3;
	v4 =	vand.u32 $0xFFFFFFC0, v4  }
0x32: {  	v3 =	vor.u32 v3, v4  }
0x33: {  	v4 =	vperm.xlane v3, v0;
	v3 =	vperm.xlane v3, v2;
	_ =	sdelay $0x1  }
0x34: {  	v4 =	vadd.s32 v1, v4;
	_ =	sdelay $0x4  }
0x35: {  	[tilespmem:s11], [sflag:$0x1] =	stream.indirect_vreg.gather [hbm4b:s3+s2], $0x80, v4, vm0, $0xb8;
	[tilespmem:$0x6C80] =	vst v63  }
0x36: {  	_ = 	snop  }
0x37: {  	[tilespmem:s12], [sflag:$0x1] =	stream.indirect_vreg.gather [hbm4b:s5+s2], $0x80, v4, vm0, $0xb8;
	[tilespmem:$0x6C80] =	vst v63  }
0x38: {  	v3 =	vadd.s32 v1, v3  }
0x39: {  	[tilespmem:s13], [sflag:$0x1] =	stream.indirect_vreg.gather [hbm4b:s6+s2], $0x80, v4, vm0, $0xb8;
	[tilespmem:$0x6C80] =	vst v63  }
0x3a: {  	_ = 	snop  }
0x3b: {  	[tilespmem:s14], [sflag:$0x1] =	stream.indirect_vreg.gather [hbm4b:s7+s2], $0x80, v4, vm0, $0xb8;
	[tilespmem:$0x6C80] =	vst v63  }
0x3c: {  	_ = 	snop  }
0x3d: {  	[tilespmem:s15], [sflag:$0x1] =	stream.indirect_vreg.gather [hbm4b:s3+s2], $0x80, v3, vm0, $0xb8;
	[tilespmem:$0x6C80] =	vst v63  }
0x3e: {  	_ = 	snop  }
0x3f: {  	[tilespmem:s16], [sflag:$0x1] =	stream.indirect_vreg.gather [hbm4b:s5+s2], $0x80, v3, vm0, $0xb8;
	[tilespmem:$0x6C80] =	vst v63  }
0x40: {  	_ = 	snop  }
0x41: {  	[tilespmem:s17], [sflag:$0x1] =	stream.indirect_vreg.gather [hbm4b:s6+s2], $0x80, v3, vm0, $0xb8;
	[tilespmem:$0x6C80] =	vst v63  }
0x42: {  	_ = 	snop  }
0x43: {  	[tilespmem:s18], [sflag:$0x1] =	stream.indirect_vreg.gather [hbm4b:s7+s2], $0x80, v3, vm0, $0xb8;
	[tilespmem:$0x6C80] =	vst v63  }
0x44: {  	_ =	swait.ge [sflag:s19], $0x4000  }
.Ltmp0:
0x45: {  	[sflag:s19] =	ssyncset.done $0x0;
	(pc) =	sbr.rel @p0 .LBB2_2-.Ltmp0, $4  }
0x46: {  	[sflag:s19] =	ssyncadd.s32 $0xFFFFC000  }
0x47: {  	[hbm4b:s21+s2] =	stream.linear.scatter [tilespmem:s11], [sflag:$0x2], $0x4000, $0x38;
	[tilespmem:$0x6C80] =	vst v63  }
0x48: {  	_ =	swait.ge [sflag:s10], $0x4000  }
0x49: {  	s23 =	smov.u32 s25;
	s21 =	sadd.s32 $0x800, s21;
	[sflag:s10] =	ssyncset.done $0x0  }
0x4a: {  	s22 =	sshra.s32 s22, $0x2;
	[sflag:s10] =	ssyncadd.s32 $0xFFFFC000  }
0x4b: {  	v3 =	vld [tilespmem:s22+$0x0];
	_ =	sdelay $0x4  }
0x4c: {  	v4 =	vshll.u32 v3, $0x3  }
0x4d: {  	v3 =	vand.u32 $0x7, v3;
	v4 =	vand.u32 $0xFFFFFFC0, v4  }
0x4e: {  	v3 =	vor.u32 v3, v4  }
0x4f: {  	v4 =	vperm.xlane v3, v0;
	_ =	sdelay $0x1  }
0x50: {  	v4 =	vadd.s32 v1, v4;
	_ =	sdelay $0x4  }
0x51: {  	[tilespmem:s11], [sflag:$0x1] =	stream.indirect_vreg.gather [hbm4b:s3+s2], $0x80, v4, vm0, $0xb8;
	[tilespmem:$0x6C80] =	vst v63  }
0x52: {  	v3 =	vperm.xlane v3, v2  }
0x53: {  	[tilespmem:s12], [sflag:$0x1] =	stream.indirect_vreg.gather [hbm4b:s5+s2], $0x80, v4, vm0, $0xb8;
	[tilespmem:$0x6C80] =	vst v63  }
0x54: {  	v3 =	vadd.s32 v1, v3  }
0x55: {  	[tilespmem:s13], [sflag:$0x1] =	stream.indirect_vreg.gather [hbm4b:s6+s2], $0x80, v4, vm0, $0xb8;
	[tilespmem:$0x6C80] =	vst v63  }
0x56: {  	_ = 	snop  }
0x57: {  	[tilespmem:s14], [sflag:$0x1] =	stream.indirect_vreg.gather [hbm4b:s7+s2], $0x80, v4, vm0, $0xb8;
	[tilespmem:$0x6C80] =	vst v63  }
0x58: {  	_ = 	snop  }
0x59: {  	[tilespmem:s15], [sflag:$0x1] =	stream.indirect_vreg.gather [hbm4b:s3+s2], $0x80, v3, vm0, $0xb8;
	[tilespmem:$0x6C80] =	vst v63  }
0x5a: {  	_ = 	snop  }
0x5b: {  	[tilespmem:s16], [sflag:$0x1] =	stream.indirect_vreg.gather [hbm4b:s5+s2], $0x80, v3, vm0, $0xb8;
	[tilespmem:$0x6C80] =	vst v63  }
0x5c: {  	_ = 	snop  }
0x5d: {  	[tilespmem:s17], [sflag:$0x1] =	stream.indirect_vreg.gather [hbm4b:s6+s2], $0x80, v3, vm0, $0xb8;
	[tilespmem:$0x6C80] =	vst v63  }
0x5e: {  	_ = 	snop  }
0x5f: {  	[tilespmem:s18], [sflag:$0x1] =	stream.indirect_vreg.gather [hbm4b:s7+s2], $0x80, v3, vm0, $0xb8;
	[tilespmem:$0x6C80] =	vst v63  }
0x60: {  	s20 =	sadd.s32 $0x1, s20;
	_ =	swait.ge [sflag:s19], $0x4000  }
0x61: {  	p0 =	sne.s32 s20, s8;
	[sflag:s19] =	ssyncset.done $0x0  }
.Ltmp1:
0x62: {  	[sflag:s19] =	ssyncadd.s32 $0xFFFFC000;
	(pc) =	sbr.rel @p0 .LBB2_1-.Ltmp1, $4  }
0x63: {  	[hbm4b:s21+s2] =	stream.linear.scatter [tilespmem:s11], [sflag:$0x2], $0x4000, $0x38;
	[tilespmem:$0x6C80] =	vst v63  }
0x64: {  	_ =	swait.ge [sflag:s10], $0x4000  }
0x65: {  	[sflag:s10] =	ssyncset.done $0x0  }
0x66: {  	[sflag:s10] =	ssyncadd.s32 $0xFFFFC000  }
0x67: {  	_ =	sfence.sel $0x180000  }
0x68: {  	[bflag:$0x0] =	sbarrier.arrive $0xFFFF  }
0x69: {  	p0 =	sne.s32 s0, $0x0;
	_ =	strace $0x9000004D  }
0x6a: {  	s0 =	sadd.s32 @!p0 $0x100000, s1;
	[bflag:$0x2] =	sbarrier.arrive $0xFFFF  }
0x6b: {  	[sflag:s0] =	ssyncadd.tile.s32 @!p0 $0x1;
	_ =	shalt  }
.Lfunc_end2:
_tile_overlayer_lowered:
.L_overlay_start_2:
0x6c: {  	(tag) =	ssettag $0x2  }
0x6d: {  	s0 =	rddreg [dreg:$0x0];
	s2 =	stileid.u32  }
0x6e: {  	s1 =	rddreg [dreg:$0x1];
	p0 =	sne.s32 s2, $0x0  }
0x6f: {  	s3 =	rddreg [dreg:$0x2];
	[bflag:$0x3] =	sbarrier.arrive $0xFFFF;
	s2 =	simm.s32 @!p0 $0x1C02  }
0x70: {  	[timem:s3], [sflag:s2] =	dma.local @!p0 [hbm:s0], s1  }
0x71: {  	s0 =	simm.s32 @!p0 $0x2  }
0x72: {  	_ =	swait.ge @!p0 [sflag:s0], s1  }
0x73: {  	s1 =	ssub.s32 @!p0 $0x0, s1;
	[sflag:s0] =	ssyncset.done @!p0 $0x0  }
0x74: {  	[sflag:s0] =	ssyncadd.s32 @!p0 s1  }
0x75: {  	[bflag:$0x3] =	sbarrier.arrive $0xFFFF  }
0x76: {  	_ =	shalt  }

</sc_bundles>
